<compile_context>
chip_gen: v7x
topology: tpu7x:2x2x1
jax: 0.10.2.dev20260603
libtpu: 0.0.44.dev20260713+nightly
codegen_flags: <defaults>
</compile_context>

<pallas_src>
import functools

import jax
import jax.numpy as jnp
from jax import lax
from jax.experimental import pallas as pl
from jax.experimental.pallas import tpu as pltpu
from jax.experimental.pallas import tpu_sc as plsc

_MU = 3.5
_LANES = 16
_NCHUNK = 2


@jax.jit
def kernel(user, item, user_biases, item_biases):
    batch = user.shape[0]
    info = plsc.get_sparse_core_info()
    num_subcores = info.num_subcores
    num_cores = 1
    num_workers = num_cores * num_subcores
    b_per_w = batch // num_workers
    chunk = b_per_w // _NCHUNK

    mesh = plsc.VectorSubcoreMesh(core_axis_name="c", subcore_axis_name="s",
                                  num_cores=num_cores)

    idx_t = pltpu.VMEM((chunk,), jnp.int32)
    val_t = pltpu.VMEM((chunk,), jnp.float32)

    @functools.partial(
        pl.kernel,
        mesh=mesh,
        out_type=jax.ShapeDtypeStruct((batch,), jnp.float32),
        scratch_types=(
            [idx_t] * (2 * _NCHUNK)
            + [val_t] * (3 * _NCHUNK)
            + [pltpu.SemaphoreType.DMA] * (2 * _NCHUNK)
        ),
    )
    def sc_kernel(user_hbm, item_hbm, ub_hbm, ib_hbm, out_hbm, *scratch):
        uidx = scratch[0:_NCHUNK]
        iidx = scratch[_NCHUNK:2 * _NCHUNK]
        bu = scratch[2 * _NCHUNK:3 * _NCHUNK]
        bi = scratch[3 * _NCHUNK:4 * _NCHUNK]
        out = scratch[4 * _NCHUNK:5 * _NCHUNK]
        sem_u = scratch[5 * _NCHUNK:6 * _NCHUNK]
        sem_i = scratch[6 * _NCHUNK:7 * _NCHUNK]

        wid = lax.axis_index("s") * num_cores + lax.axis_index("c")
        base = wid * b_per_w
        sls = [pl.ds(base + c * chunk, chunk) for c in range(_NCHUNK)]

        cp_u = [pltpu.async_copy(user_hbm.at[sls[c]], uidx[c], sem_u[c])
                for c in range(_NCHUNK)]
        cp_i = [pltpu.async_copy(item_hbm.at[sls[c]], iidx[c], sem_i[c])
                for c in range(_NCHUNK)]
        g_u, g_i = [], []
        for c in range(_NCHUNK):
            cp_u[c].wait()
            g_u.append(pltpu.async_copy(ub_hbm.at[uidx[c]], bu[c], sem_u[c]))
            cp_i[c].wait()
            g_i.append(pltpu.async_copy(ib_hbm.at[iidx[c]], bi[c], sem_i[c]))
        wb = []
        for c in range(_NCHUNK):
            g_u[c].wait()
            g_i[c].wait()
            for i in range(chunk // _LANES):
                v = pl.ds(i * _LANES, _LANES)
                out[c][v] = (_MU + bu[c][v]) + bi[c][v]
            wb.append(pltpu.async_copy(out[c], out_hbm.at[sls[c]], sem_u[c]))
        for c in range(_NCHUNK):
            wb[c].wait()

    return sc_kernel(
        user.astype(jnp.int32),
        item.astype(jnp.int32),
        user_biases.reshape(-1),
        item_biases.reshape(-1),
    )

# --- scband reference (transcript-rebuilt; emitter-appended) ---
"""Pipeline reference for scband-baseline-estimates-84361747628055 (READ-ONLY COPY).

The authoritative reference and input builder live on the scoring server;
editing this copy changes nothing except your own understanding.
"""

import jax, jax.numpy as jnp
import numpy as np

NUM_USERS = 1000000
NUM_ITEMS = 100000
MU = 3.5
BATCH = 16384

def setup_inputs(seed: int = 0) -> dict:
    key = jax.random.key(seed)
    k1, k2, k3, k4 = jax.random.split(key, 4)
    user = jax.random.randint(k1, (BATCH,), 0, NUM_USERS, dtype=jnp.int64 if jax.config.jax_enable_x64 else jnp.int32)
    item = jax.random.randint(k2, (BATCH,), 0, NUM_ITEMS, dtype=jnp.int64 if jax.config.jax_enable_x64 else jnp.int32)
    user_biases = jax.random.normal(k3, (NUM_USERS, 1), dtype=jnp.float32)
    item_biases = jax.random.normal(k4, (NUM_ITEMS, 1), dtype=jnp.float32)
    return {"user": user, "item": item, "user_biases": user_biases, "item_biases": item_biases}

def reference(user, item, user_biases, item_biases):
    bu = jnp.take(user_biases, user, axis=0)  # [B, 1]
    bi = jnp.take(item_biases, item, axis=0)  # [B, 1]
    rui = MU + jnp.squeeze(bu) + jnp.squeeze(bi)
    return rui

if __name__ == "__main__":
    import jax
    _d = setup_inputs()
    print(jax.jit(kernel)(*tuple(_d.values())))

</pallas_src>

<mosaic_0001>
#map = affine_map<(d0, d1) -> (0)>
module attributes {stable_mosaic.version = 14 : i64} {
  func.func @sc_kernel(%arg0: i32, %arg1: i32, %arg2: memref<16384xi32, #tpu.memory_space<hbm>>, %arg3: memref<16384xi32, #tpu.memory_space<hbm>>, %arg4: memref<1000000xf32, #tpu.memory_space<hbm>>, %arg5: memref<100000xf32, #tpu.memory_space<hbm>>, %arg6: memref<16384xf32, #tpu.memory_space<hbm>>, %arg7: memref<512xi32, #tpu.memory_space<vmem>>, %arg8: memref<512xi32, #tpu.memory_space<vmem>>, %arg9: memref<512xi32, #tpu.memory_space<vmem>>, %arg10: memref<512xi32, #tpu.memory_space<vmem>>, %arg11: memref<512xf32, #tpu.memory_space<vmem>>, %arg12: memref<512xf32, #tpu.memory_space<vmem>>, %arg13: memref<512xf32, #tpu.memory_space<vmem>>, %arg14: memref<512xf32, #tpu.memory_space<vmem>>, %arg15: memref<512xf32, #tpu.memory_space<vmem>>, %arg16: memref<512xf32, #tpu.memory_space<vmem>>, %arg17: memref<!tpu.dma_semaphore, #tpu.memory_space<semaphore_mem>>, %arg18: memref<!tpu.dma_semaphore, #tpu.memory_space<semaphore_mem>>, %arg19: memref<!tpu.dma_semaphore, #tpu.memory_space<semaphore_mem>>, %arg20: memref<!tpu.dma_semaphore, #tpu.memory_space<semaphore_mem>>) attributes {dimension_semantics = [#tpu.dimension_semantics<core_parallel>, #tpu.dimension_semantics<subcore_parallel>], iteration_bounds = array<i64: 1, 16>, scalar_prefetch = 0 : i64, scratch_operands = 14 : i64, tpu.core_type = #tpu.core_type<sc_vector_subcore>, window_params = [{transform_indices = #map}, {transform_indices = #map}, {transform_indices = #map}, {transform_indices = #map}, {transform_indices = #map}]} {
    %mul3A = arith.constant 1 : i32
    %mul3A_0 = arith.muli %arg1, %mul3A : i32
    %add3A = arith.addi %mul3A_0, %arg0 : i32
    %mul3A_1 = arith.constant 1024 : i32
    %mul3A_2 = arith.muli %add3A, %mul3A_1 : i32
    %add3A_3 = arith.constant 0 : i32
    %add3A_4 = arith.addi %mul3A_2, %add3A_3 : i32
    %add3A_5 = arith.constant 512 : i32
    %add3A_6 = arith.addi %mul3A_2, %add3A_5 : i32
    %dma_start3A = tpu.memref_slice %arg2[%add3A_4] : memref<16384xi32, #tpu.memory_space<hbm>> -> memref<512xi32, #tpu.memory_space<hbm>>
    %dma_start3A_7 = tpu.memref_slice %arg2[%add3A_4] : memref<16384xi32, #tpu.memory_space<hbm>> -> memref<512xi32, #tpu.memory_space<hbm>>
    tpu.enqueue_dma source(%dma_start3A_7 : memref<512xi32, #tpu.memory_space<hbm>>) target(%arg7 : memref<512xi32, #tpu.memory_space<vmem>>) target_semaphore(%arg17 : memref<!tpu.dma_semaphore, #tpu.memory_space<semaphore_mem>>)
    %dma_start3A_8 = tpu.memref_slice %arg2[%add3A_6] : memref<16384xi32, #tpu.memory_space<hbm>> -> memref<512xi32, #tpu.memory_space<hbm>>
    %dma_start3A_9 = tpu.memref_slice %arg2[%add3A_6] : memref<16384xi32, #tpu.memory_space<hbm>> -> memref<512xi32, #tpu.memory_space<hbm>>
    tpu.enqueue_dma source(%dma_start3A_9 : memref<512xi32, #tpu.memory_space<hbm>>) target(%arg8 : memref<512xi32, #tpu.memory_space<vmem>>) target_semaphore(%arg18 : memref<!tpu.dma_semaphore, #tpu.memory_space<semaphore_mem>>)
    %dma_start3A_10 = tpu.memref_slice %arg3[%add3A_4] : memref<16384xi32, #tpu.memory_space<hbm>> -> memref<512xi32, #tpu.memory_space<hbm>>
    %dma_start3A_11 = tpu.memref_slice %arg3[%add3A_4] : memref<16384xi32, #tpu.memory_space<hbm>> -> memref<512xi32, #tpu.memory_space<hbm>>
    tpu.enqueue_dma source(%dma_start3A_11 : memref<512xi32, #tpu.memory_space<hbm>>) target(%arg9 : memref<512xi32, #tpu.memory_space<vmem>>) target_semaphore(%arg19 : memref<!tpu.dma_semaphore, #tpu.memory_space<semaphore_mem>>)
    %dma_start3A_12 = tpu.memref_slice %arg3[%add3A_6] : memref<16384xi32, #tpu.memory_space<hbm>> -> memref<512xi32, #tpu.memory_space<hbm>>
    %dma_start3A_13 = tpu.memref_slice %arg3[%add3A_6] : memref<16384xi32, #tpu.memory_space<hbm>> -> memref<512xi32, #tpu.memory_space<hbm>>
    tpu.enqueue_dma source(%dma_start3A_13 : memref<512xi32, #tpu.memory_space<hbm>>) target(%arg10 : memref<512xi32, #tpu.memory_space<vmem>>) target_semaphore(%arg20 : memref<!tpu.dma_semaphore, #tpu.memory_space<semaphore_mem>>)
    %dma_wait3A = tpu.memref_slice %arg2[%add3A_4] : memref<16384xi32, #tpu.memory_space<hbm>> -> memref<512xi32, #tpu.memory_space<hbm>>
    %dma_wait3A_14 = tpu.memref_slice %arg2[%add3A_4] : memref<16384xi32, #tpu.memory_space<hbm>> -> memref<512xi32, #tpu.memory_space<hbm>>
    tpu.wait_dma2 semaphore(%arg17 : memref<!tpu.dma_semaphore, #tpu.memory_space<semaphore_mem>>) src(%dma_wait3A_14 : memref<512xi32, #tpu.memory_space<hbm>>) dst(%arg7 : memref<512xi32, #tpu.memory_space<vmem>>)
    %dma_start3A_15 = arith.constant 0 : i32
    %dma_start3A_16 = tpu.memref_slice %arg4[%dma_start3A_15] : memref<1000000xf32, #tpu.memory_space<hbm>> -> memref<1000000xf32, #tpu.memory_space<hbm>>
    tpu.enqueue_indirect_dma source(%dma_start3A_16 : memref<1000000xf32, #tpu.memory_space<hbm>>) target(%arg11 : memref<512xf32, #tpu.memory_space<vmem>>) offsets(%arg7 : memref<512xi32, #tpu.memory_space<vmem>>) semaphore(%arg17 : memref<!tpu.dma_semaphore, #tpu.memory_space<semaphore_mem>>)
    %dma_wait3A_17 = tpu.memref_slice %arg3[%add3A_4] : memref<16384xi32, #tpu.memory_space<hbm>> -> memref<512xi32, #tpu.memory_space<hbm>>
    %dma_wait3A_18 = tpu.memref_slice %arg3[%add3A_4] : memref<16384xi32, #tpu.memory_space<hbm>> -> memref<512xi32, #tpu.memory_space<hbm>>
    tpu.wait_dma2 semaphore(%arg19 : memref<!tpu.dma_semaphore, #tpu.memory_space<semaphore_mem>>) src(%dma_wait3A_18 : memref<512xi32, #tpu.memory_space<hbm>>) dst(%arg9 : memref<512xi32, #tpu.memory_space<vmem>>)
    %dma_start3A_19 = arith.constant 0 : i32
    %dma_start3A_20 = tpu.memref_slice %arg5[%dma_start3A_19] : memref<100000xf32, #tpu.memory_space<hbm>> -> memref<100000xf32, #tpu.memory_space<hbm>>
    tpu.enqueue_indirect_dma source(%dma_start3A_20 : memref<100000xf32, #tpu.memory_space<hbm>>) target(%arg13 : memref<512xf32, #tpu.memory_space<vmem>>) offsets(%arg9 : memref<512xi32, #tpu.memory_space<vmem>>) semaphore(%arg19 : memref<!tpu.dma_semaphore, #tpu.memory_space<semaphore_mem>>)
    %dma_wait3A_21 = tpu.memref_slice %arg2[%add3A_6] : memref<16384xi32, #tpu.memory_space<hbm>> -> memref<512xi32, #tpu.memory_space<hbm>>
    %dma_wait3A_22 = tpu.memref_slice %arg2[%add3A_6] : memref<16384xi32, #tpu.memory_space<hbm>> -> memref<512xi32, #tpu.memory_space<hbm>>
    tpu.wait_dma2 semaphore(%arg18 : memref<!tpu.dma_semaphore, #tpu.memory_space<semaphore_mem>>) src(%dma_wait3A_22 : memref<512xi32, #tpu.memory_space<hbm>>) dst(%arg8 : memref<512xi32, #tpu.memory_space<vmem>>)
    %dma_start3A_23 = arith.constant 0 : i32
    %dma_start3A_24 = tpu.memref_slice %arg4[%dma_start3A_23] : memref<1000000xf32, #tpu.memory_space<hbm>> -> memref<1000000xf32, #tpu.memory_space<hbm>>
    tpu.enqueue_indirect_dma source(%dma_start3A_24 : memref<1000000xf32, #tpu.memory_space<hbm>>) target(%arg12 : memref<512xf32, #tpu.memory_space<vmem>>) offsets(%arg8 : memref<512xi32, #tpu.memory_space<vmem>>) semaphore(%arg18 : memref<!tpu.dma_semaphore, #tpu.memory_space<semaphore_mem>>)
    %dma_wait3A_25 = tpu.memref_slice %arg3[%add3A_6] : memref<16384xi32, #tpu.memory_space<hbm>> -> memref<512xi32, #tpu.memory_space<hbm>>
    %dma_wait3A_26 = tpu.memref_slice %arg3[%add3A_6] : memref<16384xi32, #tpu.memory_space<hbm>> -> memref<512xi32, #tpu.memory_space<hbm>>
    tpu.wait_dma2 semaphore(%arg20 : memref<!tpu.dma_semaphore, #tpu.memory_space<semaphore_mem>>) src(%dma_wait3A_26 : memref<512xi32, #tpu.memory_space<hbm>>) dst(%arg10 : memref<512xi32, #tpu.memory_space<vmem>>)
    %dma_start3A_27 = arith.constant 0 : i32
    %dma_start3A_28 = tpu.memref_slice %arg5[%dma_start3A_27] : memref<100000xf32, #tpu.memory_space<hbm>> -> memref<100000xf32, #tpu.memory_space<hbm>>
    tpu.enqueue_indirect_dma source(%dma_start3A_28 : memref<100000xf32, #tpu.memory_space<hbm>>) target(%arg14 : memref<512xf32, #tpu.memory_space<vmem>>) offsets(%arg10 : memref<512xi32, #tpu.memory_space<vmem>>) semaphore(%arg20 : memref<!tpu.dma_semaphore, #tpu.memory_space<semaphore_mem>>)
    %dma_wait3A_29 = arith.constant 0 : i32
    %dma_wait3A_30 = tpu.memref_slice %arg4[%dma_wait3A_29] : memref<1000000xf32, #tpu.memory_space<hbm>> -> memref<1000000xf32, #tpu.memory_space<hbm>>
    tpu.wait_indirect_dma semaphore(%arg17 : memref<!tpu.dma_semaphore, #tpu.memory_space<semaphore_mem>>) src(%dma_wait3A_30 : memref<1000000xf32, #tpu.memory_space<hbm>>) dst(%arg11 : memref<512xf32, #tpu.memory_space<vmem>>)
    %dma_wait3A_31 = arith.constant 0 : i32
    %dma_wait3A_32 = tpu.memref_slice %arg5[%dma_wait3A_31] : memref<100000xf32, #tpu.memory_space<hbm>> -> memref<100000xf32, #tpu.memory_space<hbm>>
    tpu.wait_indirect_dma semaphore(%arg19 : memref<!tpu.dma_semaphore, #tpu.memory_space<semaphore_mem>>) src(%dma_wait3A_32 : memref<100000xf32, #tpu.memory_space<hbm>>) dst(%arg13 : memref<512xf32, #tpu.memory_space<vmem>>)
    %get3A = arith.constant 0 : index
    %get3A_33 = tpu.vector_load %arg11[%get3A] {strides = array<i32>} : memref<512xf32, #tpu.memory_space<vmem>>, vector<16xf32>,
    %get3A_34 = vector.shape_cast %get3A_33 : vector<16xf32> to vector<16xf32>
    %add3A_35 = arith.constant 3.500000e+00 : f32
    %add3A_36 = vector.broadcast %add3A_35 : f32 to vector<16xf32>
    %add3A_37 = arith.addf %add3A_36, %get3A_34 : vector<16xf32>
    %get3A_38 = arith.constant 0 : index
    %get3A_39 = tpu.vector_load %arg13[%get3A_38] {strides = array<i32>} : memref<512xf32, #tpu.memory_space<vmem>>, vector<16xf32>,
    %get3A_40 = vector.shape_cast %get3A_39 : vector<16xf32> to vector<16xf32>
    %add3A_41 = arith.addf %add3A_37, %get3A_40 : vector<16xf32>
    %swap3A = arith.constant 0 : index
    %swap3A_42 = tpu.vector_load %arg15[%swap3A] {strides = array<i32>} : memref<512xf32, #tpu.memory_space<vmem>>, vector<16xf32>,
    %swap3A_43 = vector.shape_cast %swap3A_42 : vector<16xf32> to vector<16xf32>
    %swap3A_44 = vector.shape_cast %add3A_41 : vector<16xf32> to vector<16xf32>
    tpu.vector_store %arg15[%swap3A], %swap3A_44 {strides = array<i32>} : memref<512xf32, #tpu.memory_space<vmem>>, vector<16xf32>,
    %get3A_45 = arith.constant 16 : index
    %get3A_46 = tpu.vector_load %arg11[%get3A_45] {strides = array<i32>} : memref<512xf32, #tpu.memory_space<vmem>>, vector<16xf32>,
    %get3A_47 = vector.shape_cast %get3A_46 : vector<16xf32> to vector<16xf32>
    %add3A_48 = arith.constant 3.500000e+00 : f32
    %add3A_49 = vector.broadcast %add3A_48 : f32 to vector<16xf32>
    %add3A_50 = arith.addf %add3A_49, %get3A_47 : vector<16xf32>
    %get3A_51 = arith.constant 16 : index
    %get3A_52 = tpu.vector_load %arg13[%get3A_51] {strides = array<i32>} : memref<512xf32, #tpu.memory_space<vmem>>, vector<16xf32>,
    %get3A_53 = vector.shape_cast %get3A_52 : vector<16xf32> to vector<16xf32>
    %add3A_54 = arith.addf %add3A_50, %get3A_53 : vector<16xf32>
    %swap3A_55 = arith.constant 16 : index
    %swap3A_56 = tpu.vector_load %arg15[%swap3A_55] {strides = array<i32>} : memref<512xf32, #tpu.memory_space<vmem>>, vector<16xf32>,
    %swap3A_57 = vector.shape_cast %swap3A_56 : vector<16xf32> to vector<16xf32>
    %swap3A_58 = vector.shape_cast %add3A_54 : vector<16xf32> to vector<16xf32>
    tpu.vector_store %arg15[%swap3A_55], %swap3A_58 {strides = array<i32>} : memref<512xf32, #tpu.memory_space<vmem>>, vector<16xf32>,
    %get3A_59 = arith.constant 32 : index
    %get3A_60 = tpu.vector_load %arg11[%get3A_59] {strides = array<i32>} : memref<512xf32, #tpu.memory_space<vmem>>, vector<16xf32>,
    %get3A_61 = vector.shape_cast %get3A_60 : vector<16xf32> to vector<16xf32>
    %add3A_62 = arith.constant 3.500000e+00 : f32
    %add3A_63 = vector.broadcast %add3A_62 : f32 to vector<16xf32>
    %add3A_64 = arith.addf %add3A_63, %get3A_61 : vector<16xf32>
    %get3A_65 = arith.constant 32 : index
    %get3A_66 = tpu.vector_load %arg13[%get3A_65] {strides = array<i32>} : memref<512xf32, #tpu.memory_space<vmem>>, vector<16xf32>,
    %get3A_67 = vector.shape_cast %get3A_66 : vector<16xf32> to vector<16xf32>
    %add3A_68 = arith.addf %add3A_64, %get3A_67 : vector<16xf32>
    %swap3A_69 = arith.constant 32 : index
    %swap3A_70 = tpu.vector_load %arg15[%swap3A_69] {strides = array<i32>} : memref<512xf32, #tpu.memory_space<vmem>>, vector<16xf32>,
    %swap3A_71 = vector.shape_cast %swap3A_70 : vector<16xf32> to vector<16xf32>
    %swap3A_72 = vector.shape_cast %add3A_68 : vector<16xf32> to vector<16xf32>
    tpu.vector_store %arg15[%swap3A_69], %swap3A_72 {strides = array<i32>} : memref<512xf32, #tpu.memory_space<vmem>>, vector<16xf32>,
    %get3A_73 = arith.constant 48 : index
    %get3A_74 = tpu.vector_load %arg11[%get3A_73] {strides = array<i32>} : memref<512xf32, #tpu.memory_space<vmem>>, vector<16xf32>,
    %get3A_75 = vector.shape_cast %get3A_74 : vector<16xf32> to vector<16xf32>
    %add3A_76 = arith.constant 3.500000e+00 : f32
    %add3A_77 = vector.broadcast %add3A_76 : f32 to vector<16xf32>
    %add3A_78 = arith.addf %add3A_77, %get3A_75 : vector<16xf32>
    %get3A_79 = arith.constant 48 : index
    %get3A_80 = tpu.vector_load %arg13[%get3A_79] {strides = array<i32>} : memref<512xf32, #tpu.memory_space<vmem>>, vector<16xf32>,
    %get3A_81 = vector.shape_cast %get3A_80 : vector<16xf32> to vector<16xf32>
    %add3A_82 = arith.addf %add3A_78, %get3A_81 : vector<16xf32>
    %swap3A_83 = arith.constant 48 : index
    %swap3A_84 = tpu.vector_load %arg15[%swap3A_83] {strides = array<i32>} : memref<512xf32, #tpu.memory_space<vmem>>, vector<16xf32>,
    %swap3A_85 = vector.shape_cast %swap3A_84 : vector<16xf32> to vector<16xf32>
    %swap3A_86 = vector.shape_cast %add3A_82 : vector<16xf32> to vector<16xf32>
    tpu.vector_store %arg15[%swap3A_83], %swap3A_86 {strides = array<i32>} : memref<512xf32, #tpu.memory_space<vmem>>, vector<16xf32>,
    %get3A_87 = arith.constant 64 : index
    %get3A_88 = tpu.vector_load %arg11[%get3A_87] {strides = array<i32>} : memref<512xf32, #tpu.memory_space<vmem>>, vector<16xf32>,
    %get3A_89 = vector.shape_cast %get3A_88 : vector<16xf32> to vector<16xf32>
    %add3A_90 = arith.constant 3.500000e+00 : f32
    %add3A_91 = vector.broadcast %add3A_90 : f32 to vector<16xf32>
    %add3A_92 = arith.addf %add3A_91, %get3A_89 : vector<16xf32>
    %get3A_93 = arith.constant 64 : index
    %get3A_94 = tpu.vector_load %arg13[%get3A_93] {strides = array<i32>} : memref<512xf32, #tpu.memory_space<vmem>>, vector<16xf32>,
    %get3A_95 = vector.shape_cast %get3A_94 : vector<16xf32> to vector<16xf32>
    %add3A_96 = arith.addf %add3A_92, %get3A_95 : vector<16xf32>
    %swap3A_97 = arith.constant 64 : index
    %swap3A_98 = tpu.vector_load %arg15[%swap3A_97] {strides = array<i32>} : memref<512xf32, #tpu.memory_space<vmem>>, vector<16xf32>,
    %swap3A_99 = vector.shape_cast %swap3A_98 : vector<16xf32> to vector<16xf32>
    %swap3A_100 = vector.shape_cast %add3A_96 : vector<16xf32> to vector<16xf32>
    tpu.vector_store %arg15[%swap3A_97], %swap3A_100 {strides = array<i32>} : memref<512xf32, #tpu.memory_space<vmem>>, vector<16xf32>,
    %get3A_101 = arith.constant 80 : index
    %get3A_102 = tpu.vector_load %arg11[%get3A_101] {strides = array<i32>} : memref<512xf32, #tpu.memory_space<vmem>>, vector<16xf32>,
    %get3A_103 = vector.shape_cast %get3A_102 : vector<16xf32> to vector<16xf32>
    %add3A_104 = arith.constant 3.500000e+00 : f32
    %add3A_105 = vector.broadcast %add3A_104 : f32 to vector<16xf32>
    %add3A_106 = arith.addf %add3A_105, %get3A_103 : vector<16xf32>
    %get3A_107 = arith.constant 80 : index
    %get3A_108 = tpu.vector_load %arg13[%get3A_107] {strides = array<i32>} : memref<512xf32, #tpu.memory_space<vmem>>, vector<16xf32>,
    %get3A_109 = vector.shape_cast %get3A_108 : vector<16xf32> to vector<16xf32>
    %add3A_110 = arith.addf %add3A_106, %get3A_109 : vector<16xf32>
    %swap3A_111 = arith.constant 80 : index
    %swap3A_112 = tpu.vector_load %arg15[%swap3A_111] {strides = array<i32>} : memref<512xf32, #tpu.memory_space<vmem>>, vector<16xf32>,
    %swap3A_113 = vector.shape_cast %swap3A_112 : vector<16xf32> to vector<16xf32>
    %swap3A_114 = vector.shape_cast %add3A_110 : vector<16xf32> to vector<16xf32>
    tpu.vector_store %arg15[%swap3A_111], %swap3A_114 {strides = array<i32>} : memref<512xf32, #tpu.memory_space<vmem>>, vector<16xf32>,
    %get3A_115 = arith.constant 96 : index
    %get3A_116 = tpu.vector_load %arg11[%get3A_115] {strides = array<i32>} : memref<512xf32, #tpu.memory_space<vmem>>, vector<16xf32>,
    %get3A_117 = vector.shape_cast %get3A_116 : vector<16xf32> to vector<16xf32>
    %add3A_118 = arith.constant 3.500000e+00 : f32
    %add3A_119 = vector.broadcast %add3A_118 : f32 to vector<16xf32>
    %add3A_120 = arith.addf %add3A_119, %get3A_117 : vector<16xf32>
    %get3A_121 = arith.constant 96 : index
    %get3A_122 = tpu.vector_load %arg13[%get3A_121] {strides = array<i32>} : memref<512xf32, #tpu.memory_space<vmem>>, vector<16xf32>,
    %get3A_123 = vector.shape_cast %get3A_122 : vector<16xf32> to vector<16xf32>
    %add3A_124 = arith.addf %add3A_120, %get3A_123 : vector<16xf32>
    %swap3A_125 = arith.constant 96 : index
    %swap3A_126 = tpu.vector_load %arg15[%swap3A_125] {strides = array<i32>} : memref<512xf32, #tpu.memory_space<vmem>>, vector<16xf32>,
    %swap3A_127 = vector.shape_cast %swap3A_126 : vector<16xf32> to vector<16xf32>
    %swap3A_128 = vector.shape_cast %add3A_124 : vector<16xf32> to vector<16xf32>
    tpu.vector_store %arg15[%swap3A_125], %swap3A_128 {strides = array<i32>} : memref<512xf32, #tpu.memory_space<vmem>>, vector<16xf32>,
    %get3A_129 = arith.constant 112 : index
    %get3A_130 = tpu.vector_load %arg11[%get3A_129] {strides = array<i32>} : memref<512xf32, #tpu.memory_space<vmem>>, vector<16xf32>,
    %get3A_131 = vector.shape_cast %get3A_130 : vector<16xf32> to vector<16xf32>
    %add3A_132 = arith.constant 3.500000e+00 : f32
    %add3A_133 = vector.broadcast %add3A_132 : f32 to vector<16xf32>
    %add3A_134 = arith.addf %add3A_133, %get3A_131 : vector<16xf32>
    %get3A_135 = arith.constant 112 : index
    %get3A_136 = tpu.vector_load %arg13[%get3A_135] {strides = array<i32>} : memref<512xf32, #tpu.memory_space<vmem>>, vector<16xf32>,
    %get3A_137 = vector.shape_cast %get3A_136 : vector<16xf32> to vector<16xf32>
    %add3A_138 = arith.addf %add3A_134, %get3A_137 : vector<16xf32>
    %swap3A_139 = arith.constant 112 : index
    %swap3A_140 = tpu.vector_load %arg15[%swap3A_139] {strides = array<i32>} : memref<512xf32, #tpu.memory_space<vmem>>, vector<16xf32>,
    %swap3A_141 = vector.shape_cast %swap3A_140 : vector<16xf32> to vector<16xf32>
    %swap3A_142 = vector.shape_cast %add3A_138 : vector<16xf32> to vector<16xf32>
    tpu.vector_store %arg15[%swap3A_139], %swap3A_142 {strides = array<i32>} : memref<512xf32, #tpu.memory_space<vmem>>, vector<16xf32>,
    %get3A_143 = arith.constant 128 : index
    %get3A_144 = tpu.vector_load %arg11[%get3A_143] {strides = array<i32>} : memref<512xf32, #tpu.memory_space<vmem>>, vector<16xf32>,
    %get3A_145 = vector.shape_cast %get3A_144 : vector<16xf32> to vector<16xf32>
    %add3A_146 = arith.constant 3.500000e+00 : f32
    %add3A_147 = vector.broadcast %add3A_146 : f32 to vector<16xf32>
    %add3A_148 = arith.addf %add3A_147, %get3A_145 : vector<16xf32>
    %get3A_149 = arith.constant 128 : index
    %get3A_150 = tpu.vector_load %arg13[%get3A_149] {strides = array<i32>} : memref<512xf32, #tpu.memory_space<vmem>>, vector<16xf32>,
    %get3A_151 = vector.shape_cast %get3A_150 : vector<16xf32> to vector<16xf32>
    %add3A_152 = arith.addf %add3A_148, %get3A_151 : vector<16xf32>
    %swap3A_153 = arith.constant 128 : index
    %swap3A_154 = tpu.vector_load %arg15[%swap3A_153] {strides = array<i32>} : memref<512xf32, #tpu.memory_space<vmem>>, vector<16xf32>,
    %swap3A_155 = vector.shape_cast %swap3A_154 : vector<16xf32> to vector<16xf32>
    %swap3A_156 = vector.shape_cast %add3A_152 : vector<16xf32> to vector<16xf32>
    tpu.vector_store %arg15[%swap3A_153], %swap3A_156 {strides = array<i32>} : memref<512xf32, #tpu.memory_space<vmem>>, vector<16xf32>,
    %get3A_157 = arith.constant 144 : index
    %get3A_158 = tpu.vector_load %arg11[%get3A_157] {strides = array<i32>} : memref<512xf32, #tpu.memory_space<vmem>>, vector<16xf32>,
    %get3A_159 = vector.shape_cast %get3A_158 : vector<16xf32> to vector<16xf32>
    %add3A_160 = arith.constant 3.500000e+00 : f32
    %add3A_161 = vector.broadcast %add3A_160 : f32 to vector<16xf32>
    %add3A_162 = arith.addf %add3A_161, %get3A_159 : vector<16xf32>
    %get3A_163 = arith.constant 144 : index
    %get3A_164 = tpu.vector_load %arg13[%get3A_163] {strides = array<i32>} : memref<512xf32, #tpu.memory_space<vmem>>, vector<16xf32>,
    %get3A_165 = vector.shape_cast %get3A_164 : vector<16xf32> to vector<16xf32>
    %add3A_166 = arith.addf %add3A_162, %get3A_165 : vector<16xf32>
    %swap3A_167 = arith.constant 144 : index
    %swap3A_168 = tpu.vector_load %arg15[%swap3A_167] {strides = array<i32>} : memref<512xf32, #tpu.memory_space<vmem>>, vector<16xf32>,
    %swap3A_169 = vector.shape_cast %swap3A_168 : vector<16xf32> to vector<16xf32>
    %swap3A_170 = vector.shape_cast %add3A_166 : vector<16xf32> to vector<16xf32>
    tpu.vector_store %arg15[%swap3A_167], %swap3A_170 {strides = array<i32>} : memref<512xf32, #tpu.memory_space<vmem>>, vector<16xf32>,
    %get3A_171 = arith.constant 160 : index
    %get3A_172 = tpu.vector_load %arg11[%get3A_171] {strides = array<i32>} : memref<512xf32, #tpu.memory_space<vmem>>, vector<16xf32>,
    %get3A_173 = vector.shape_cast %get3A_172 : vector<16xf32> to vector<16xf32>
    %add3A_174 = arith.constant 3.500000e+00 : f32
    %add3A_175 = vector.broadcast %add3A_174 : f32 to vector<16xf32>
    %add3A_176 = arith.addf %add3A_175, %get3A_173 : vector<16xf32>
    %get3A_177 = arith.constant 160 : index
    %get3A_178 = tpu.vector_load %arg13[%get3A_177] {strides = array<i32>} : memref<512xf32, #tpu.memory_space<vmem>>, vector<16xf32>,
    %get3A_179 = vector.shape_cast %get3A_178 : vector<16xf32> to vector<16xf32>
    %add3A_180 = arith.addf %add3A_176, %get3A_179 : vector<16xf32>
    %swap3A_181 = arith.constant 160 : index
    %swap3A_182 = tpu.vector_load %arg15[%swap3A_181] {strides = array<i32>} : memref<512xf32, #tpu.memory_space<vmem>>, vector<16xf32>,
    %swap3A_183 = vector.shape_cast %swap3A_182 : vector<16xf32> to vector<16xf32>
    %swap3A_184 = vector.shape_cast %add3A_180 : vector<16xf32> to vector<16xf32>
    tpu.vector_store %arg15[%swap3A_181], %swap3A_184 {strides = array<i32>} : memref<512xf32, #tpu.memory_space<vmem>>, vector<16xf32>,
    %get3A_185 = arith.constant 176 : index
    %get3A_186 = tpu.vector_load %arg11[%get3A_185] {strides = array<i32>} : memref<512xf32, #tpu.memory_space<vmem>>, vector<16xf32>,
    %get3A_187 = vector.shape_cast %get3A_186 : vector<16xf32> to vector<16xf32>
    %add3A_188 = arith.constant 3.500000e+00 : f32
    %add3A_189 = vector.broadcast %add3A_188 : f32 to vector<16xf32>
    %add3A_190 = arith.addf %add3A_189, %get3A_187 : vector<16xf32>
    %get3A_191 = arith.constant 176 : index
    %get3A_192 = tpu.vector_load %arg13[%get3A_191] {strides = array<i32>} : memref<512xf32, #tpu.memory_space<vmem>>, vector<16xf32>,
    %get3A_193 = vector.shape_cast %get3A_192 : vector<16xf32> to vector<16xf32>
    %add3A_194 = arith.addf %add3A_190, %get3A_193 : vector<16xf32>
    %swap3A_195 = arith.constant 176 : index
    %swap3A_196 = tpu.vector_load %arg15[%swap3A_195] {strides = array<i32>} : memref<512xf32, #tpu.memory_space<vmem>>, vector<16xf32>,
    %swap3A_197 = vector.shape_cast %swap3A_196 : vector<16xf32> to vector<16xf32>
    %swap3A_198 = vector.shape_cast %add3A_194 : vector<16xf32> to vector<16xf32>
    tpu.vector_store %arg15[%swap3A_195], %swap3A_198 {strides = array<i32>} : memref<512xf32, #tpu.memory_space<vmem>>, vector<16xf32>,
    %get3A_199 = arith.constant 192 : index
    %get3A_200 = tpu.vector_load %arg11[%get3A_199] {strides = array<i32>} : memref<512xf32, #tpu.memory_space<vmem>>, vector<16xf32>,
    %get3A_201 = vector.shape_cast %get3A_200 : vector<16xf32> to vector<16xf32>
    %add3A_202 = arith.constant 3.500000e+00 : f32
    %add3A_203 = vector.broadcast %add3A_202 : f32 to vector<16xf32>
    %add3A_204 = arith.addf %add3A_203, %get3A_201 : vector<16xf32>
    %get3A_205 = arith.constant 192 : index
    %get3A_206 = tpu.vector_load %arg13[%get3A_205] {strides = array<i32>} : memref<512xf32, #tpu.memory_space<vmem>>, vector<16xf32>,
    %get3A_207 = vector.shape_cast %get3A_206 : vector<16xf32> to vector<16xf32>
    %add3A_208 = arith.addf %add3A_204, %get3A_207 : vector<16xf32>
    %swap3A_209 = arith.constant 192 : index
    %swap3A_210 = tpu.vector_load %arg15[%swap3A_209] {strides = array<i32>} : memref<512xf32, #tpu.memory_space<vmem>>, vector<16xf32>,
    %swap3A_211 = vector.shape_cast %swap3A_210 : vector<16xf32> to vector<16xf32>
    %swap3A_212 = vector.shape_cast %add3A_208 : vector<16xf32> to vector<16xf32>
    tpu.vector_store %arg15[%swap3A_209], %swap3A_212 {strides = array<i32>} : memref<512xf32, #tpu.memory_space<vmem>>, vector<16xf32>,
    %get3A_213 = arith.constant 208 : index
    %get3A_214 = tpu.vector_load %arg11[%get3A_213] {strides = array<i32>} : memref<512xf32, #tpu.memory_space<vmem>>, vector<16xf32>,
    %get3A_215 = vector.shape_cast %get3A_214 : vector<16xf32> to vector<16xf32>
    %add3A_216 = arith.constant 3.500000e+00 : f32
    %add3A_217 = vector.broadcast %add3A_216 : f32 to vector<16xf32>
    %add3A_218 = arith.addf %add3A_217, %get3A_215 : vector<16xf32>
    %get3A_219 = arith.constant 208 : index
    %get3A_220 = tpu.vector_load %arg13[%get3A_219] {strides = array<i32>} : memref<512xf32, #tpu.memory_space<vmem>>, vector<16xf32>,
    %get3A_221 = vector.shape_cast %get3A_220 : vector<16xf32> to vector<16xf32>
    %add3A_222 = arith.addf %add3A_218, %get3A_221 : vector<16xf32>
    %swap3A_223 = arith.constant 208 : index
    %swap3A_224 = tpu.vector_load %arg15[%swap3A_223] {strides = array<i32>} : memref<512xf32, #tpu.memory_space<vmem>>, vector<16xf32>,
    %swap3A_225 = vector.shape_cast %swap3A_224 : vector<16xf32> to vector<16xf32>
    %swap3A_226 = vector.shape_cast %add3A_222 : vector<16xf32> to vector<16xf32>
    tpu.vector_store %arg15[%swap3A_223], %swap3A_226 {strides = array<i32>} : memref<512xf32, #tpu.memory_space<vmem>>, vector<16xf32>,
    %get3A_227 = arith.constant 224 : index
    %get3A_228 = tpu.vector_load %arg11[%get3A_227] {strides = array<i32>} : memref<512xf32, #tpu.memory_space<vmem>>, vector<16xf32>,
    %get3A_229 = vector.shape_cast %get3A_228 : vector<16xf32> to vector<16xf32>
    %add3A_230 = arith.constant 3.500000e+00 : f32
    %add3A_231 = vector.broadcast %add3A_230 : f32 to vector<16xf32>
    %add3A_232 = arith.addf %add3A_231, %get3A_229 : vector<16xf32>
    %get3A_233 = arith.constant 224 : index
    %get3A_234 = tpu.vector_load %arg13[%get3A_233] {strides = array<i32>} : memref<512xf32, #tpu.memory_space<vmem>>, vector<16xf32>,
    %get3A_235 = vector.shape_cast %get3A_234 : vector<16xf32> to vector<16xf32>
    %add3A_236 = arith.addf %add3A_232, %get3A_235 : vector<16xf32>
    %swap3A_237 = arith.constant 224 : index
    %swap3A_238 = tpu.vector_load %arg15[%swap3A_237] {strides = array<i32>} : memref<512xf32, #tpu.memory_space<vmem>>, vector<16xf32>,
    %swap3A_239 = vector.shape_cast %swap3A_238 : vector<16xf32> to vector<16xf32>
    %swap3A_240 = vector.shape_cast %add3A_236 : vector<16xf32> to vector<16xf32>
    tpu.vector_store %arg15[%swap3A_237], %swap3A_240 {strides = array<i32>} : memref<512xf32, #tpu.memory_space<vmem>>, vector<16xf32>,
    %get3A_241 = arith.constant 240 : index
    %get3A_242 = tpu.vector_load %arg11[%get3A_241] {strides = array<i32>} : memref<512xf32, #tpu.memory_space<vmem>>, vector<16xf32>,
    %get3A_243 = vector.shape_cast %get3A_242 : vector<16xf32> to vector<16xf32>
    %add3A_244 = arith.constant 3.500000e+00 : f32
    %add3A_245 = vector.broadcast %add3A_244 : f32 to vector<16xf32>
    %add3A_246 = arith.addf %add3A_245, %get3A_243 : vector<16xf32>
    %get3A_247 = arith.constant 240 : index
    %get3A_248 = tpu.vector_load %arg13[%get3A_247] {strides = array<i32>} : memref<512xf32, #tpu.memory_space<vmem>>, vector<16xf32>,
    %get3A_249 = vector.shape_cast %get3A_248 : vector<16xf32> to vector<16xf32>
    %add3A_250 = arith.addf %add3A_246, %get3A_249 : vector<16xf32>
    %swap3A_251 = arith.constant 240 : index
    %swap3A_252 = tpu.vector_load %arg15[%swap3A_251] {strides = array<i32>} : memref<512xf32, #tpu.memory_space<vmem>>, vector<16xf32>,
    %swap3A_253 = vector.shape_cast %swap3A_252 : vector<16xf32> to vector<16xf32>
    %swap3A_254 = vector.shape_cast %add3A_250 : vector<16xf32> to vector<16xf32>
    tpu.vector_store %arg15[%swap3A_251], %swap3A_254 {strides = array<i32>} : memref<512xf32, #tpu.memory_space<vmem>>, vector<16xf32>,
    %get3A_255 = arith.constant 256 : index
    %get3A_256 = tpu.vector_load %arg11[%get3A_255] {strides = array<i32>} : memref<512xf32, #tpu.memory_space<vmem>>, vector<16xf32>,
    %get3A_257 = vector.shape_cast %get3A_256 : vector<16xf32> to vector<16xf32>
    %add3A_258 = arith.constant 3.500000e+00 : f32
    %add3A_259 = vector.broadcast %add3A_258 : f32 to vector<16xf32>
    %add3A_260 = arith.addf %add3A_259, %get3A_257 : vector<16xf32>
    %get3A_261 = arith.constant 256 : index
    %get3A_262 = tpu.vector_load %arg13[%get3A_261] {strides = array<i32>} : memref<512xf32, #tpu.memory_space<vmem>>, vector<16xf32>,
    %get3A_263 = vector.shape_cast %get3A_262 : vector<16xf32> to vector<16xf32>
    %add3A_264 = arith.addf %add3A_260, %get3A_263 : vector<16xf32>
    %swap3A_265 = arith.constant 256 : index
    %swap3A_266 = tpu.vector_load %arg15[%swap3A_265] {strides = array<i32>} : memref<512xf32, #tpu.memory_space<vmem>>, vector<16xf32>,
    %swap3A_267 = vector.shape_cast %swap3A_266 : vector<16xf32> to vector<16xf32>
    %swap3A_268 = vector.shape_cast %add3A_264 : vector<16xf32> to vector<16xf32>
    tpu.vector_store %arg15[%swap3A_265], %swap3A_268 {strides = array<i32>} : memref<512xf32, #tpu.memory_space<vmem>>, vector<16xf32>,
    %get3A_269 = arith.constant 272 : index
    %get3A_270 = tpu.vector_load %arg11[%get3A_269] {strides = array<i32>} : memref<512xf32, #tpu.memory_space<vmem>>, vector<16xf32>,
    %get3A_271 = vector.shape_cast %get3A_270 : vector<16xf32> to vector<16xf32>
    %add3A_272 = arith.constant 3.500000e+00 : f32
    %add3A_273 = vector.broadcast %add3A_272 : f32 to vector<16xf32>
    %add3A_274 = arith.addf %add3A_273, %get3A_271 : vector<16xf32>
    %get3A_275 = arith.constant 272 : index
    %get3A_276 = tpu.vector_load %arg13[%get3A_275] {strides = array<i32>} : memref<512xf32, #tpu.memory_space<vmem>>, vector<16xf32>,
    %get3A_277 = vector.shape_cast %get3A_276 : vector<16xf32> to vector<16xf32>
    %add3A_278 = arith.addf %add3A_274, %get3A_277 : vector<16xf32>
    %swap3A_279 = arith.constant 272 : index
    %swap3A_280 = tpu.vector_load %arg15[%swap3A_279] {strides = array<i32>} : memref<512xf32, #tpu.memory_space<vmem>>, vector<16xf32>,
    %swap3A_281 = vector.shape_cast %swap3A_280 : vector<16xf32> to vector<16xf32>
    %swap3A_282 = vector.shape_cast %add3A_278 : vector<16xf32> to vector<16xf32>
    tpu.vector_store %arg15[%swap3A_279], %swap3A_282 {strides = array<i32>} : memref<512xf32, #tpu.memory_space<vmem>>, vector<16xf32>,
    %get3A_283 = arith.constant 288 : index
    %get3A_284 = tpu.vector_load %arg11[%get3A_283] {strides = array<i32>} : memref<512xf32, #tpu.memory_space<vmem>>, vector<16xf32>,
    %get3A_285 = vector.shape_cast %get3A_284 : vector<16xf32> to vector<16xf32>
    %add3A_286 = arith.constant 3.500000e+00 : f32
    %add3A_287 = vector.broadcast %add3A_286 : f32 to vector<16xf32>
    %add3A_288 = arith.addf %add3A_287, %get3A_285 : vector<16xf32>
    %get3A_289 = arith.constant 288 : index
    %get3A_290 = tpu.vector_load %arg13[%get3A_289] {strides = array<i32>} : memref<512xf32, #tpu.memory_space<vmem>>, vector<16xf32>,
    %get3A_291 = vector.shape_cast %get3A_290 : vector<16xf32> to vector<16xf32>
    %add3A_292 = arith.addf %add3A_288, %get3A_291 : vector<16xf32>
    %swap3A_293 = arith.constant 288 : index
    %swap3A_294 = tpu.vector_load %arg15[%swap3A_293] {strides = array<i32>} : memref<512xf32, #tpu.memory_space<vmem>>, vector<16xf32>,
    %swap3A_295 = vector.shape_cast %swap3A_294 : vector<16xf32> to vector<16xf32>
    %swap3A_296 = vector.shape_cast %add3A_292 : vector<16xf32> to vector<16xf32>
    tpu.vector_store %arg15[%swap3A_293], %swap3A_296 {strides = array<i32>} : memref<512xf32, #tpu.memory_space<vmem>>, vector<16xf32>,
    %get3A_297 = arith.constant 304 : index
    %get3A_298 = tpu.vector_load %arg11[%get3A_297] {strides = array<i32>} : memref<512xf32, #tpu.memory_space<vmem>>, vector<16xf32>,
    %get3A_299 = vector.shape_cast %get3A_298 : vector<16xf32> to vector<16xf32>
    %add3A_300 = arith.constant 3.500000e+00 : f32
    %add3A_301 = vector.broadcast %add3A_300 : f32 to vector<16xf32>
    %add3A_302 = arith.addf %add3A_301, %get3A_299 : vector<16xf32>
    %get3A_303 = arith.constant 304 : index
    %get3A_304 = tpu.vector_load %arg13[%get3A_303] {strides = array<i32>} : memref<512xf32, #tpu.memory_space<vmem>>, vector<16xf32>,
    %get3A_305 = vector.shape_cast %get3A_304 : vector<16xf32> to vector<16xf32>
    %add3A_306 = arith.addf %add3A_302, %get3A_305 : vector<16xf32>
    %swap3A_307 = arith.constant 304 : index
    %swap3A_308 = tpu.vector_load %arg15[%swap3A_307] {strides = array<i32>} : memref<512xf32, #tpu.memory_space<vmem>>, vector<16xf32>,
    %swap3A_309 = vector.shape_cast %swap3A_308 : vector<16xf32> to vector<16xf32>
    %swap3A_310 = vector.shape_cast %add3A_306 : vector<16xf32> to vector<16xf32>
    tpu.vector_store %arg15[%swap3A_307], %swap3A_310 {strides = array<i32>} : memref<512xf32, #tpu.memory_space<vmem>>, vector<16xf32>,
    %get3A_311 = arith.constant 320 : index
    %get3A_312 = tpu.vector_load %arg11[%get3A_311] {strides = array<i32>} : memref<512xf32, #tpu.memory_space<vmem>>, vector<16xf32>,
    %get3A_313 = vector.shape_cast %get3A_312 : vector<16xf32> to vector<16xf32>
    %add3A_314 = arith.constant 3.500000e+00 : f32
    %add3A_315 = vector.broadcast %add3A_314 : f32 to vector<16xf32>
    %add3A_316 = arith.addf %add3A_315, %get3A_313 : vector<16xf32>
    %get3A_317 = arith.constant 320 : index
    %get3A_318 = tpu.vector_load %arg13[%get3A_317] {strides = array<i32>} : memref<512xf32, #tpu.memory_space<vmem>>, vector<16xf32>,
    %get3A_319 = vector.shape_cast %get3A_318 : vector<16xf32> to vector<16xf32>
    %add3A_320 = arith.addf %add3A_316, %get3A_319 : vector<16xf32>
    %swap3A_321 = arith.constant 320 : index
    %swap3A_322 = tpu.vector_load %arg15[%swap3A_321] {strides = array<i32>} : memref<512xf32, #tpu.memory_space<vmem>>, vector<16xf32>,
    %swap3A_323 = vector.shape_cast %swap3A_322 : vector<16xf32> to vector<16xf32>
    %swap3A_324 = vector.shape_cast %add3A_320 : vector<16xf32> to vector<16xf32>
    tpu.vector_store %arg15[%swap3A_321], %swap3A_324 {strides = array<i32>} : memref<512xf32, #tpu.memory_space<vmem>>, vector<16xf32>,
    %get3A_325 = arith.constant 336 : index
    %get3A_326 = tpu.vector_load %arg11[%get3A_325] {strides = array<i32>} : memref<512xf32, #tpu.memory_space<vmem>>, vector<16xf32>,
    %get3A_327 = vector.shape_cast %get3A_326 : vector<16xf32> to vector<16xf32>
    %add3A_328 = arith.constant 3.500000e+00 : f32
    %add3A_329 = vector.broadcast %add3A_328 : f32 to vector<16xf32>
    %add3A_330 = arith.addf %add3A_329, %get3A_327 : vector<16xf32>
    %get3A_331 = arith.constant 336 : index
    %get3A_332 = tpu.vector_load %arg13[%get3A_331] {strides = array<i32>} : memref<512xf32, #tpu.memory_space<vmem>>, vector<16xf32>,
    %get3A_333 = vector.shape_cast %get3A_332 : vector<16xf32> to vector<16xf32>
    %add3A_334 = arith.addf %add3A_330, %get3A_333 : vector<16xf32>
    %swap3A_335 = arith.constant 336 : index
    %swap3A_336 = tpu.vector_load %arg15[%swap3A_335] {strides = array<i32>} : memref<512xf32, #tpu.memory_space<vmem>>, vector<16xf32>,
    %swap3A_337 = vector.shape_cast %swap3A_336 : vector<16xf32> to vector<16xf32>
    %swap3A_338 = vector.shape_cast %add3A_334 : vector<16xf32> to vector<16xf32>
    tpu.vector_store %arg15[%swap3A_335], %swap3A_338 {strides = array<i32>} : memref<512xf32, #tpu.memory_space<vmem>>, vector<16xf32>,
    %get3A_339 = arith.constant 352 : index
    %get3A_340 = tpu.vector_load %arg11[%get3A_339] {strides = array<i32>} : memref<512xf32, #tpu.memory_space<vmem>>, vector<16xf32>,
    %get3A_341 = vector.shape_cast %get3A_340 : vector<16xf32> to vector<16xf32>
    %add3A_342 = arith.constant 3.500000e+00 : f32
    %add3A_343 = vector.broadcast %add3A_342 : f32 to vector<16xf32>
    %add3A_344 = arith.addf %add3A_343, %get3A_341 : vector<16xf32>
    %get3A_345 = arith.constant 352 : index
    %get3A_346 = tpu.vector_load %arg13[%get3A_345] {strides = array<i32>} : memref<512xf32, #tpu.memory_space<vmem>>, vector<16xf32>,
    %get3A_347 = vector.shape_cast %get3A_346 : vector<16xf32> to vector<16xf32>
    %add3A_348 = arith.addf %add3A_344, %get3A_347 : vector<16xf32>
    %swap3A_349 = arith.constant 352 : index
    %swap3A_350 = tpu.vector_load %arg15[%swap3A_349] {strides = array<i32>} : memref<512xf32, #tpu.memory_space<vmem>>, vector<16xf32>,
    %swap3A_351 = vector.shape_cast %swap3A_350 : vector<16xf32> to vector<16xf32>
    %swap3A_352 = vector.shape_cast %add3A_348 : vector<16xf32> to vector<16xf32>
    tpu.vector_store %arg15[%swap3A_349], %swap3A_352 {strides = array<i32>} : memref<512xf32, #tpu.memory_space<vmem>>, vector<16xf32>,
    %get3A_353 = arith.constant 368 : index
    %get3A_354 = tpu.vector_load %arg11[%get3A_353] {strides = array<i32>} : memref<512xf32, #tpu.memory_space<vmem>>, vector<16xf32>,
    %get3A_355 = vector.shape_cast %get3A_354 : vector<16xf32> to vector<16xf32>
    %add3A_356 = arith.constant 3.500000e+00 : f32
    %add3A_357 = vector.broadcast %add3A_356 : f32 to vector<16xf32>
    %add3A_358 = arith.addf %add3A_357, %get3A_355 : vector<16xf32>
    %get3A_359 = arith.constant 368 : index
    %get3A_360 = tpu.vector_load %arg13[%get3A_359] {strides = array<i32>} : memref<512xf32, #tpu.memory_space<vmem>>, vector<16xf32>,
    %get3A_361 = vector.shape_cast %get3A_360 : vector<16xf32> to vector<16xf32>
    %add3A_362 = arith.addf %add3A_358, %get3A_361 : vector<16xf32>
    %swap3A_363 = arith.constant 368 : index
    %swap3A_364 = tpu.vector_load %arg15[%swap3A_363] {strides = array<i32>} : memref<512xf32, #tpu.memory_space<vmem>>, vector<16xf32>,
    %swap3A_365 = vector.shape_cast %swap3A_364 : vector<16xf32> to vector<16xf32>
    %swap3A_366 = vector.shape_cast %add3A_362 : vector<16xf32> to vector<16xf32>
    tpu.vector_store %arg15[%swap3A_363], %swap3A_366 {strides = array<i32>} : memref<512xf32, #tpu.memory_space<vmem>>, vector<16xf32>,
    %get3A_367 = arith.constant 384 : index
    %get3A_368 = tpu.vector_load %arg11[%get3A_367] {strides = array<i32>} : memref<512xf32, #tpu.memory_space<vmem>>, vector<16xf32>,
    %get3A_369 = vector.shape_cast %get3A_368 : vector<16xf32> to vector<16xf32>
    %add3A_370 = arith.constant 3.500000e+00 : f32
    %add3A_371 = vector.broadcast %add3A_370 : f32 to vector<16xf32>
    %add3A_372 = arith.addf %add3A_371, %get3A_369 : vector<16xf32>
    %get3A_373 = arith.constant 384 : index
    %get3A_374 = tpu.vector_load %arg13[%get3A_373] {strides = array<i32>} : memref<512xf32, #tpu.memory_space<vmem>>, vector<16xf32>,
    %get3A_375 = vector.shape_cast %get3A_374 : vector<16xf32> to vector<16xf32>
    %add3A_376 = arith.addf %add3A_372, %get3A_375 : vector<16xf32>
    %swap3A_377 = arith.constant 384 : index
    %swap3A_378 = tpu.vector_load %arg15[%swap3A_377] {strides = array<i32>} : memref<512xf32, #tpu.memory_space<vmem>>, vector<16xf32>,
    %swap3A_379 = vector.shape_cast %swap3A_378 : vector<16xf32> to vector<16xf32>
    %swap3A_380 = vector.shape_cast %add3A_376 : vector<16xf32> to vector<16xf32>
    tpu.vector_store %arg15[%swap3A_377], %swap3A_380 {strides = array<i32>} : memref<512xf32, #tpu.memory_space<vmem>>, vector<16xf32>,
    %get3A_381 = arith.constant 400 : index
    %get3A_382 = tpu.vector_load %arg11[%get3A_381] {strides = array<i32>} : memref<512xf32, #tpu.memory_space<vmem>>, vector<16xf32>,
    %get3A_383 = vector.shape_cast %get3A_382 : vector<16xf32> to vector<16xf32>
    %add3A_384 = arith.constant 3.500000e+00 : f32
    %add3A_385 = vector.broadcast %add3A_384 : f32 to vector<16xf32>
    %add3A_386 = arith.addf %add3A_385, %get3A_383 : vector<16xf32>
    %get3A_387 = arith.constant 400 : index
    %get3A_388 = tpu.vector_load %arg13[%get3A_387] {strides = array<i32>} : memref<512xf32, #tpu.memory_space<vmem>>, vector<16xf32>,
    %get3A_389 = vector.shape_cast %get3A_388 : vector<16xf32> to vector<16xf32>
    %add3A_390 = arith.addf %add3A_386, %get3A_389 : vector<16xf32>
    %swap3A_391 = arith.constant 400 : index
    %swap3A_392 = tpu.vector_load %arg15[%swap3A_391] {strides = array<i32>} : memref<512xf32, #tpu.memory_space<vmem>>, vector<16xf32>,
    %swap3A_393 = vector.shape_cast %swap3A_392 : vector<16xf32> to vector<16xf32>
    %swap3A_394 = vector.shape_cast %add3A_390 : vector<16xf32> to vector<16xf32>
    tpu.vector_store %arg15[%swap3A_391], %swap3A_394 {strides = array<i32>} : memref<512xf32, #tpu.memory_space<vmem>>, vector<16xf32>,
    %get3A_395 = arith.constant 416 : index
    %get3A_396 = tpu.vector_load %arg11[%get3A_395] {strides = array<i32>} : memref<512xf32, #tpu.memory_space<vmem>>, vector<16xf32>,
    %get3A_397 = vector.shape_cast %get3A_396 : vector<16xf32> to vector<16xf32>
    %add3A_398 = arith.constant 3.500000e+00 : f32
    %add3A_399 = vector.broadcast %add3A_398 : f32 to vector<16xf32>
    %add3A_400 = arith.addf %add3A_399, %get3A_397 : vector<16xf32>
    %get3A_401 = arith.constant 416 : index
    %get3A_402 = tpu.vector_load %arg13[%get3A_401] {strides = array<i32>} : memref<512xf32, #tpu.memory_space<vmem>>, vector<16xf32>,
    %get3A_403 = vector.shape_cast %get3A_402 : vector<16xf32> to vector<16xf32>
    %add3A_404 = arith.addf %add3A_400, %get3A_403 : vector<16xf32>
    %swap3A_405 = arith.constant 416 : index
    %swap3A_406 = tpu.vector_load %arg15[%swap3A_405] {strides = array<i32>} : memref<512xf32, #tpu.memory_space<vmem>>, vector<16xf32>,
    %swap3A_407 = vector.shape_cast %swap3A_406 : vector<16xf32> to vector<16xf32>
    %swap3A_408 = vector.shape_cast %add3A_404 : vector<16xf32> to vector<16xf32>
    tpu.vector_store %arg15[%swap3A_405], %swap3A_408 {strides = array<i32>} : memref<512xf32, #tpu.memory_space<vmem>>, vector<16xf32>,
    %get3A_409 = arith.constant 432 : index
    %get3A_410 = tpu.vector_load %arg11[%get3A_409] {strides = array<i32>} : memref<512xf32, #tpu.memory_space<vmem>>, vector<16xf32>,
    %get3A_411 = vector.shape_cast %get3A_410 : vector<16xf32> to vector<16xf32>
    %add3A_412 = arith.constant 3.500000e+00 : f32
    %add3A_413 = vector.broadcast %add3A_412 : f32 to vector<16xf32>
    %add3A_414 = arith.addf %add3A_413, %get3A_411 : vector<16xf32>
    %get3A_415 = arith.constant 432 : index
    %get3A_416 = tpu.vector_load %arg13[%get3A_415] {strides = array<i32>} : memref<512xf32, #tpu.memory_space<vmem>>, vector<16xf32>,
    %get3A_417 = vector.shape_cast %get3A_416 : vector<16xf32> to vector<16xf32>
    %add3A_418 = arith.addf %add3A_414, %get3A_417 : vector<16xf32>
    %swap3A_419 = arith.constant 432 : index
    %swap3A_420 = tpu.vector_load %arg15[%swap3A_419] {strides = array<i32>} : memref<512xf32, #tpu.memory_space<vmem>>, vector<16xf32>,
    %swap3A_421 = vector.shape_cast %swap3A_420 : vector<16xf32> to vector<16xf32>
    %swap3A_422 = vector.shape_cast %add3A_418 : vector<16xf32> to vector<16xf32>
    tpu.vector_store %arg15[%swap3A_419], %swap3A_422 {strides = array<i32>} : memref<512xf32, #tpu.memory_space<vmem>>, vector<16xf32>,
    %get3A_423 = arith.constant 448 : index
    %get3A_424 = tpu.vector_load %arg11[%get3A_423] {strides = array<i32>} : memref<512xf32, #tpu.memory_space<vmem>>, vector<16xf32>,
    %get3A_425 = vector.shape_cast %get3A_424 : vector<16xf32> to vector<16xf32>
    %add3A_426 = arith.constant 3.500000e+00 : f32
    %add3A_427 = vector.broadcast %add3A_426 : f32 to vector<16xf32>
    %add3A_428 = arith.addf %add3A_427, %get3A_425 : vector<16xf32>
    %get3A_429 = arith.constant 448 : index
    %get3A_430 = tpu.vector_load %arg13[%get3A_429] {strides = array<i32>} : memref<512xf32, #tpu.memory_space<vmem>>, vector<16xf32>,
    %get3A_431 = vector.shape_cast %get3A_430 : vector<16xf32> to vector<16xf32>
    %add3A_432 = arith.addf %add3A_428, %get3A_431 : vector<16xf32>
    %swap3A_433 = arith.constant 448 : index
    %swap3A_434 = tpu.vector_load %arg15[%swap3A_433] {strides = array<i32>} : memref<512xf32, #tpu.memory_space<vmem>>, vector<16xf32>,
    %swap3A_435 = vector.shape_cast %swap3A_434 : vector<16xf32> to vector<16xf32>
    %swap3A_436 = vector.shape_cast %add3A_432 : vector<16xf32> to vector<16xf32>
    tpu.vector_store %arg15[%swap3A_433], %swap3A_436 {strides = array<i32>} : memref<512xf32, #tpu.memory_space<vmem>>, vector<16xf32>,
    %get3A_437 = arith.constant 464 : index
    %get3A_438 = tpu.vector_load %arg11[%get3A_437] {strides = array<i32>} : memref<512xf32, #tpu.memory_space<vmem>>, vector<16xf32>,
    %get3A_439 = vector.shape_cast %get3A_438 : vector<16xf32> to vector<16xf32>
    %add3A_440 = arith.constant 3.500000e+00 : f32
    %add3A_441 = vector.broadcast %add3A_440 : f32 to vector<16xf32>
    %add3A_442 = arith.addf %add3A_441, %get3A_439 : vector<16xf32>
    %get3A_443 = arith.constant 464 : index
    %get3A_444 = tpu.vector_load %arg13[%get3A_443] {strides = array<i32>} : memref<512xf32, #tpu.memory_space<vmem>>, vector<16xf32>,
    %get3A_445 = vector.shape_cast %get3A_444 : vector<16xf32> to vector<16xf32>
    %add3A_446 = arith.addf %add3A_442, %get3A_445 : vector<16xf32>
    %swap3A_447 = arith.constant 464 : index
    %swap3A_448 = tpu.vector_load %arg15[%swap3A_447] {strides = array<i32>} : memref<512xf32, #tpu.memory_space<vmem>>, vector<16xf32>,
    %swap3A_449 = vector.shape_cast %swap3A_448 : vector<16xf32> to vector<16xf32>
    %swap3A_450 = vector.shape_cast %add3A_446 : vector<16xf32> to vector<16xf32>
    tpu.vector_store %arg15[%swap3A_447], %swap3A_450 {strides = array<i32>} : memref<512xf32, #tpu.memory_space<vmem>>, vector<16xf32>,
    %get3A_451 = arith.constant 480 : index
    %get3A_452 = tpu.vector_load %arg11[%get3A_451] {strides = array<i32>} : memref<512xf32, #tpu.memory_space<vmem>>, vector<16xf32>,
    %get3A_453 = vector.shape_cast %get3A_452 : vector<16xf32> to vector<16xf32>
    %add3A_454 = arith.constant 3.500000e+00 : f32
    %add3A_455 = vector.broadcast %add3A_454 : f32 to vector<16xf32>
    %add3A_456 = arith.addf %add3A_455, %get3A_453 : vector<16xf32>
    %get3A_457 = arith.constant 480 : index
    %get3A_458 = tpu.vector_load %arg13[%get3A_457] {strides = array<i32>} : memref<512xf32, #tpu.memory_space<vmem>>, vector<16xf32>,
    %get3A_459 = vector.shape_cast %get3A_458 : vector<16xf32> to vector<16xf32>
    %add3A_460 = arith.addf %add3A_456, %get3A_459 : vector<16xf32>
    %swap3A_461 = arith.constant 480 : index
    %swap3A_462 = tpu.vector_load %arg15[%swap3A_461] {strides = array<i32>} : memref<512xf32, #tpu.memory_space<vmem>>, vector<16xf32>,
    %swap3A_463 = vector.shape_cast %swap3A_462 : vector<16xf32> to vector<16xf32>
    %swap3A_464 = vector.shape_cast %add3A_460 : vector<16xf32> to vector<16xf32>
    tpu.vector_store %arg15[%swap3A_461], %swap3A_464 {strides = array<i32>} : memref<512xf32, #tpu.memory_space<vmem>>, vector<16xf32>,
    %get3A_465 = arith.constant 496 : index
    %get3A_466 = tpu.vector_load %arg11[%get3A_465] {strides = array<i32>} : memref<512xf32, #tpu.memory_space<vmem>>, vector<16xf32>,
    %get3A_467 = vector.shape_cast %get3A_466 : vector<16xf32> to vector<16xf32>
    %add3A_468 = arith.constant 3.500000e+00 : f32
    %add3A_469 = vector.broadcast %add3A_468 : f32 to vector<16xf32>
    %add3A_470 = arith.addf %add3A_469, %get3A_467 : vector<16xf32>
    %get3A_471 = arith.constant 496 : index
    %get3A_472 = tpu.vector_load %arg13[%get3A_471] {strides = array<i32>} : memref<512xf32, #tpu.memory_space<vmem>>, vector<16xf32>,
    %get3A_473 = vector.shape_cast %get3A_472 : vector<16xf32> to vector<16xf32>
    %add3A_474 = arith.addf %add3A_470, %get3A_473 : vector<16xf32>
    %swap3A_475 = arith.constant 496 : index
    %swap3A_476 = tpu.vector_load %arg15[%swap3A_475] {strides = array<i32>} : memref<512xf32, #tpu.memory_space<vmem>>, vector<16xf32>,
    %swap3A_477 = vector.shape_cast %swap3A_476 : vector<16xf32> to vector<16xf32>
    %swap3A_478 = vector.shape_cast %add3A_474 : vector<16xf32> to vector<16xf32>
    tpu.vector_store %arg15[%swap3A_475], %swap3A_478 {strides = array<i32>} : memref<512xf32, #tpu.memory_space<vmem>>, vector<16xf32>,
    %dma_start3A_479 = tpu.memref_slice %arg6[%add3A_4] : memref<16384xf32, #tpu.memory_space<hbm>> -> memref<512xf32, #tpu.memory_space<hbm>>
    %dma_start3A_480 = tpu.memref_slice %arg6[%add3A_4] : memref<16384xf32, #tpu.memory_space<hbm>> -> memref<512xf32, #tpu.memory_space<hbm>>
    tpu.enqueue_dma source(%arg15 : memref<512xf32, #tpu.memory_space<vmem>>) target(%dma_start3A_480 : memref<512xf32, #tpu.memory_space<hbm>>) target_semaphore(%arg17 : memref<!tpu.dma_semaphore, #tpu.memory_space<semaphore_mem>>)
    %dma_wait3A_481 = arith.constant 0 : i32
    %dma_wait3A_482 = tpu.memref_slice %arg4[%dma_wait3A_481] : memref<1000000xf32, #tpu.memory_space<hbm>> -> memref<1000000xf32, #tpu.memory_space<hbm>>
    tpu.wait_indirect_dma semaphore(%arg18 : memref<!tpu.dma_semaphore, #tpu.memory_space<semaphore_mem>>) src(%dma_wait3A_482 : memref<1000000xf32, #tpu.memory_space<hbm>>) dst(%arg12 : memref<512xf32, #tpu.memory_space<vmem>>)
    %dma_wait3A_483 = arith.constant 0 : i32
    %dma_wait3A_484 = tpu.memref_slice %arg5[%dma_wait3A_483] : memref<100000xf32, #tpu.memory_space<hbm>> -> memref<100000xf32, #tpu.memory_space<hbm>>
    tpu.wait_indirect_dma semaphore(%arg20 : memref<!tpu.dma_semaphore, #tpu.memory_space<semaphore_mem>>) src(%dma_wait3A_484 : memref<100000xf32, #tpu.memory_space<hbm>>) dst(%arg14 : memref<512xf32, #tpu.memory_space<vmem>>)
    %get3A_485 = arith.constant 0 : index
    %get3A_486 = tpu.vector_load %arg12[%get3A_485] {strides = array<i32>} : memref<512xf32, #tpu.memory_space<vmem>>, vector<16xf32>,
    %get3A_487 = vector.shape_cast %get3A_486 : vector<16xf32> to vector<16xf32>
    %add3A_488 = arith.constant 3.500000e+00 : f32
    %add3A_489 = vector.broadcast %add3A_488 : f32 to vector<16xf32>
    %add3A_490 = arith.addf %add3A_489, %get3A_487 : vector<16xf32>
    %get3A_491 = arith.constant 0 : index
    %get3A_492 = tpu.vector_load %arg14[%get3A_491] {strides = array<i32>} : memref<512xf32, #tpu.memory_space<vmem>>, vector<16xf32>,
    %get3A_493 = vector.shape_cast %get3A_492 : vector<16xf32> to vector<16xf32>
    %add3A_494 = arith.addf %add3A_490, %get3A_493 : vector<16xf32>
    %swap3A_495 = arith.constant 0 : index
    %swap3A_496 = tpu.vector_load %arg16[%swap3A_495] {strides = array<i32>} : memref<512xf32, #tpu.memory_space<vmem>>, vector<16xf32>,
    %swap3A_497 = vector.shape_cast %swap3A_496 : vector<16xf32> to vector<16xf32>
    %swap3A_498 = vector.shape_cast %add3A_494 : vector<16xf32> to vector<16xf32>
    tpu.vector_store %arg16[%swap3A_495], %swap3A_498 {strides = array<i32>} : memref<512xf32, #tpu.memory_space<vmem>>, vector<16xf32>,
    %get3A_499 = arith.constant 16 : index
    %get3A_500 = tpu.vector_load %arg12[%get3A_499] {strides = array<i32>} : memref<512xf32, #tpu.memory_space<vmem>>, vector<16xf32>,
    %get3A_501 = vector.shape_cast %get3A_500 : vector<16xf32> to vector<16xf32>
    %add3A_502 = arith.constant 3.500000e+00 : f32
    %add3A_503 = vector.broadcast %add3A_502 : f32 to vector<16xf32>
    %add3A_504 = arith.addf %add3A_503, %get3A_501 : vector<16xf32>
    %get3A_505 = arith.constant 16 : index
    %get3A_506 = tpu.vector_load %arg14[%get3A_505] {strides = array<i32>} : memref<512xf32, #tpu.memory_space<vmem>>, vector<16xf32>,
    %get3A_507 = vector.shape_cast %get3A_506 : vector<16xf32> to vector<16xf32>
    %add3A_508 = arith.addf %add3A_504, %get3A_507 : vector<16xf32>
    %swap3A_509 = arith.constant 16 : index
    %swap3A_510 = tpu.vector_load %arg16[%swap3A_509] {strides = array<i32>} : memref<512xf32, #tpu.memory_space<vmem>>, vector<16xf32>,
    %swap3A_511 = vector.shape_cast %swap3A_510 : vector<16xf32> to vector<16xf32>
    %swap3A_512 = vector.shape_cast %add3A_508 : vector<16xf32> to vector<16xf32>
    tpu.vector_store %arg16[%swap3A_509], %swap3A_512 {strides = array<i32>} : memref<512xf32, #tpu.memory_space<vmem>>, vector<16xf32>,
    %get3A_513 = arith.constant 32 : index
    %get3A_514 = tpu.vector_load %arg12[%get3A_513] {strides = array<i32>} : memref<512xf32, #tpu.memory_space<vmem>>, vector<16xf32>,
    %get3A_515 = vector.shape_cast %get3A_514 : vector<16xf32> to vector<16xf32>
    %add3A_516 = arith.constant 3.500000e+00 : f32
    %add3A_517 = vector.broadcast %add3A_516 : f32 to vector<16xf32>
    %add3A_518 = arith.addf %add3A_517, %get3A_515 : vector<16xf32>
    %get3A_519 = arith.constant 32 : index
    %get3A_520 = tpu.vector_load %arg14[%get3A_519] {strides = array<i32>} : memref<512xf32, #tpu.memory_space<vmem>>, vector<16xf32>,
    %get3A_521 = vector.shape_cast %get3A_520 : vector<16xf32> to vector<16xf32>
    %add3A_522 = arith.addf %add3A_518, %get3A_521 : vector<16xf32>
    %swap3A_523 = arith.constant 32 : index
    %swap3A_524 = tpu.vector_load %arg16[%swap3A_523] {strides = array<i32>} : memref<512xf32, #tpu.memory_space<vmem>>, vector<16xf32>,
    %swap3A_525 = vector.shape_cast %swap3A_524 : vector<16xf32> to vector<16xf32>
    %swap3A_526 = vector.shape_cast %add3A_522 : vector<16xf32> to vector<16xf32>
    tpu.vector_store %arg16[%swap3A_523], %swap3A_526 {strides = array<i32>} : memref<512xf32, #tpu.memory_space<vmem>>, vector<16xf32>,
    %get3A_527 = arith.constant 48 : index
    %get3A_528 = tpu.vector_load %arg12[%get3A_527] {strides = array<i32>} : memref<512xf32, #tpu.memory_space<vmem>>, vector<16xf32>,
    %get3A_529 = vector.shape_cast %get3A_528 : vector<16xf32> to vector<16xf32>
    %add3A_530 = arith.constant 3.500000e+00 : f32
    %add3A_531 = vector.broadcast %add3A_530 : f32 to vector<16xf32>
    %add3A_532 = arith.addf %add3A_531, %get3A_529 : vector<16xf32>
    %get3A_533 = arith.constant 48 : index
    %get3A_534 = tpu.vector_load %arg14[%get3A_533] {strides = array<i32>} : memref<512xf32, #tpu.memory_space<vmem>>, vector<16xf32>,
    %get3A_535 = vector.shape_cast %get3A_534 : vector<16xf32> to vector<16xf32>
    %add3A_536 = arith.addf %add3A_532, %get3A_535 : vector<16xf32>
    %swap3A_537 = arith.constant 48 : index
    %swap3A_538 = tpu.vector_load %arg16[%swap3A_537] {strides = array<i32>} : memref<512xf32, #tpu.memory_space<vmem>>, vector<16xf32>,
    %swap3A_539 = vector.shape_cast %swap3A_538 : vector<16xf32> to vector<16xf32>
    %swap3A_540 = vector.shape_cast %add3A_536 : vector<16xf32> to vector<16xf32>
    tpu.vector_store %arg16[%swap3A_537], %swap3A_540 {strides = array<i32>} : memref<512xf32, #tpu.memory_space<vmem>>, vector<16xf32>,
    %get3A_541 = arith.constant 64 : index
    %get3A_542 = tpu.vector_load %arg12[%get3A_541] {strides = array<i32>} : memref<512xf32, #tpu.memory_space<vmem>>, vector<16xf32>,
    %get3A_543 = vector.shape_cast %get3A_542 : vector<16xf32> to vector<16xf32>
    %add3A_544 = arith.constant 3.500000e+00 : f32
    %add3A_545 = vector.broadcast %add3A_544 : f32 to vector<16xf32>
    %add3A_546 = arith.addf %add3A_545, %get3A_543 : vector<16xf32>
    %get3A_547 = arith.constant 64 : index
    %get3A_548 = tpu.vector_load %arg14[%get3A_547] {strides = array<i32>} : memref<512xf32, #tpu.memory_space<vmem>>, vector<16xf32>,
    %get3A_549 = vector.shape_cast %get3A_548 : vector<16xf32> to vector<16xf32>
    %add3A_550 = arith.addf %add3A_546, %get3A_549 : vector<16xf32>
    %swap3A_551 = arith.constant 64 : index
    %swap3A_552 = tpu.vector_load %arg16[%swap3A_551] {strides = array<i32>} : memref<512xf32, #tpu.memory_space<vmem>>, vector<16xf32>,
    %swap3A_553 = vector.shape_cast %swap3A_552 : vector<16xf32> to vector<16xf32>
    %swap3A_554 = vector.shape_cast %add3A_550 : vector<16xf32> to vector<16xf32>
    tpu.vector_store %arg16[%swap3A_551], %swap3A_554 {strides = array<i32>} : memref<512xf32, #tpu.memory_space<vmem>>, vector<16xf32>,
    %get3A_555 = arith.constant 80 : index
    %get3A_556 = tpu.vector_load %arg12[%get3A_555] {strides = array<i32>} : memref<512xf32, #tpu.memory_space<vmem>>, vector<16xf32>,
    %get3A_557 = vector.shape_cast %get3A_556 : vector<16xf32> to vector<16xf32>
    %add3A_558 = arith.constant 3.500000e+00 : f32
    %add3A_559 = vector.broadcast %add3A_558 : f32 to vector<16xf32>
    %add3A_560 = arith.addf %add3A_559, %get3A_557 : vector<16xf32>
    %get3A_561 = arith.constant 80 : index
    %get3A_562 = tpu.vector_load %arg14[%get3A_561] {strides = array<i32>} : memref<512xf32, #tpu.memory_space<vmem>>, vector<16xf32>,
    %get3A_563 = vector.shape_cast %get3A_562 : vector<16xf32> to vector<16xf32>
    %add3A_564 = arith.addf %add3A_560, %get3A_563 : vector<16xf32>
    %swap3A_565 = arith.constant 80 : index
    %swap3A_566 = tpu.vector_load %arg16[%swap3A_565] {strides = array<i32>} : memref<512xf32, #tpu.memory_space<vmem>>, vector<16xf32>,
    %swap3A_567 = vector.shape_cast %swap3A_566 : vector<16xf32> to vector<16xf32>
    %swap3A_568 = vector.shape_cast %add3A_564 : vector<16xf32> to vector<16xf32>
    tpu.vector_store %arg16[%swap3A_565], %swap3A_568 {strides = array<i32>} : memref<512xf32, #tpu.memory_space<vmem>>, vector<16xf32>,
    %get3A_569 = arith.constant 96 : index
    %get3A_570 = tpu.vector_load %arg12[%get3A_569] {strides = array<i32>} : memref<512xf32, #tpu.memory_space<vmem>>, vector<16xf32>,
    %get3A_571 = vector.shape_cast %get3A_570 : vector<16xf32> to vector<16xf32>
    %add3A_572 = arith.constant 3.500000e+00 : f32
    %add3A_573 = vector.broadcast %add3A_572 : f32 to vector<16xf32>
    %add3A_574 = arith.addf %add3A_573, %get3A_571 : vector<16xf32>
    %get3A_575 = arith.constant 96 : index
    %get3A_576 = tpu.vector_load %arg14[%get3A_575] {strides = array<i32>} : memref<512xf32, #tpu.memory_space<vmem>>, vector<16xf32>,
    %get3A_577 = vector.shape_cast %get3A_576 : vector<16xf32> to vector<16xf32>
    %add3A_578 = arith.addf %add3A_574, %get3A_577 : vector<16xf32>
    %swap3A_579 = arith.constant 96 : index
    %swap3A_580 = tpu.vector_load %arg16[%swap3A_579] {strides = array<i32>} : memref<512xf32, #tpu.memory_space<vmem>>, vector<16xf32>,
    %swap3A_581 = vector.shape_cast %swap3A_580 : vector<16xf32> to vector<16xf32>
    %swap3A_582 = vector.shape_cast %add3A_578 : vector<16xf32> to vector<16xf32>
    tpu.vector_store %arg16[%swap3A_579], %swap3A_582 {strides = array<i32>} : memref<512xf32, #tpu.memory_space<vmem>>, vector<16xf32>,
    %get3A_583 = arith.constant 112 : index
    %get3A_584 = tpu.vector_load %arg12[%get3A_583] {strides = array<i32>} : memref<512xf32, #tpu.memory_space<vmem>>, vector<16xf32>,
    %get3A_585 = vector.shape_cast %get3A_584 : vector<16xf32> to vector<16xf32>
    %add3A_586 = arith.constant 3.500000e+00 : f32
    %add3A_587 = vector.broadcast %add3A_586 : f32 to vector<16xf32>
    %add3A_588 = arith.addf %add3A_587, %get3A_585 : vector<16xf32>
    %get3A_589 = arith.constant 112 : index
    %get3A_590 = tpu.vector_load %arg14[%get3A_589] {strides = array<i32>} : memref<512xf32, #tpu.memory_space<vmem>>, vector<16xf32>,
    %get3A_591 = vector.shape_cast %get3A_590 : vector<16xf32> to vector<16xf32>
    %add3A_592 = arith.addf %add3A_588, %get3A_591 : vector<16xf32>
    %swap3A_593 = arith.constant 112 : index
    %swap3A_594 = tpu.vector_load %arg16[%swap3A_593] {strides = array<i32>} : memref<512xf32, #tpu.memory_space<vmem>>, vector<16xf32>,
    %swap3A_595 = vector.shape_cast %swap3A_594 : vector<16xf32> to vector<16xf32>
    %swap3A_596 = vector.shape_cast %add3A_592 : vector<16xf32> to vector<16xf32>
    tpu.vector_store %arg16[%swap3A_593], %swap3A_596 {strides = array<i32>} : memref<512xf32, #tpu.memory_space<vmem>>, vector<16xf32>,
    %get3A_597 = arith.constant 128 : index
    %get3A_598 = tpu.vector_load %arg12[%get3A_597] {strides = array<i32>} : memref<512xf32, #tpu.memory_space<vmem>>, vector<16xf32>,
    %get3A_599 = vector.shape_cast %get3A_598 : vector<16xf32> to vector<16xf32>
    %add3A_600 = arith.constant 3.500000e+00 : f32
    %add3A_601 = vector.broadcast %add3A_600 : f32 to vector<16xf32>
    %add3A_602 = arith.addf %add3A_601, %get3A_599 : vector<16xf32>
    %get3A_603 = arith.constant 128 : index
    %get3A_604 = tpu.vector_load %arg14[%get3A_603] {strides = array<i32>} : memref<512xf32, #tpu.memory_space<vmem>>, vector<16xf32>,
    %get3A_605 = vector.shape_cast %get3A_604 : vector<16xf32> to vector<16xf32>
    %add3A_606 = arith.addf %add3A_602, %get3A_605 : vector<16xf32>
    %swap3A_607 = arith.constant 128 : index
    %swap3A_608 = tpu.vector_load %arg16[%swap3A_607] {strides = array<i32>} : memref<512xf32, #tpu.memory_space<vmem>>, vector<16xf32>,
    %swap3A_609 = vector.shape_cast %swap3A_608 : vector<16xf32> to vector<16xf32>
    %swap3A_610 = vector.shape_cast %add3A_606 : vector<16xf32> to vector<16xf32>
    tpu.vector_store %arg16[%swap3A_607], %swap3A_610 {strides = array<i32>} : memref<512xf32, #tpu.memory_space<vmem>>, vector<16xf32>,
    %get3A_611 = arith.constant 144 : index
    %get3A_612 = tpu.vector_load %arg12[%get3A_611] {strides = array<i32>} : memref<512xf32, #tpu.memory_space<vmem>>, vector<16xf32>,
    %get3A_613 = vector.shape_cast %get3A_612 : vector<16xf32> to vector<16xf32>
    %add3A_614 = arith.constant 3.500000e+00 : f32
    %add3A_615 = vector.broadcast %add3A_614 : f32 to vector<16xf32>
    %add3A_616 = arith.addf %add3A_615, %get3A_613 : vector<16xf32>
    %get3A_617 = arith.constant 144 : index
    %get3A_618 = tpu.vector_load %arg14[%get3A_617] {strides = array<i32>} : memref<512xf32, #tpu.memory_space<vmem>>, vector<16xf32>,
    %get3A_619 = vector.shape_cast %get3A_618 : vector<16xf32> to vector<16xf32>
    %add3A_620 = arith.addf %add3A_616, %get3A_619 : vector<16xf32>
    %swap3A_621 = arith.constant 144 : index
    %swap3A_622 = tpu.vector_load %arg16[%swap3A_621] {strides = array<i32>} : memref<512xf32, #tpu.memory_space<vmem>>, vector<16xf32>,
    %swap3A_623 = vector.shape_cast %swap3A_622 : vector<16xf32> to vector<16xf32>
    %swap3A_624 = vector.shape_cast %add3A_620 : vector<16xf32> to vector<16xf32>
    tpu.vector_store %arg16[%swap3A_621], %swap3A_624 {strides = array<i32>} : memref<512xf32, #tpu.memory_space<vmem>>, vector<16xf32>,
    %get3A_625 = arith.constant 160 : index
    %get3A_626 = tpu.vector_load %arg12[%get3A_625] {strides = array<i32>} : memref<512xf32, #tpu.memory_space<vmem>>, vector<16xf32>,
    %get3A_627 = vector.shape_cast %get3A_626 : vector<16xf32> to vector<16xf32>
    %add3A_628 = arith.constant 3.500000e+00 : f32
    %add3A_629 = vector.broadcast %add3A_628 : f32 to vector<16xf32>
    %add3A_630 = arith.addf %add3A_629, %get3A_627 : vector<16xf32>
    %get3A_631 = arith.constant 160 : index
    %get3A_632 = tpu.vector_load %arg14[%get3A_631] {strides = array<i32>} : memref<512xf32, #tpu.memory_space<vmem>>, vector<16xf32>,
    %get3A_633 = vector.shape_cast %get3A_632 : vector<16xf32> to vector<16xf32>
    %add3A_634 = arith.addf %add3A_630, %get3A_633 : vector<16xf32>
    %swap3A_635 = arith.constant 160 : index
    %swap3A_636 = tpu.vector_load %arg16[%swap3A_635] {strides = array<i32>} : memref<512xf32, #tpu.memory_space<vmem>>, vector<16xf32>,
    %swap3A_637 = vector.shape_cast %swap3A_636 : vector<16xf32> to vector<16xf32>
    %swap3A_638 = vector.shape_cast %add3A_634 : vector<16xf32> to vector<16xf32>
    tpu.vector_store %arg16[%swap3A_635], %swap3A_638 {strides = array<i32>} : memref<512xf32, #tpu.memory_space<vmem>>, vector<16xf32>,
    %get3A_639 = arith.constant 176 : index
    %get3A_640 = tpu.vector_load %arg12[%get3A_639] {strides = array<i32>} : memref<512xf32, #tpu.memory_space<vmem>>, vector<16xf32>,
    %get3A_641 = vector.shape_cast %get3A_640 : vector<16xf32> to vector<16xf32>
    %add3A_642 = arith.constant 3.500000e+00 : f32
    %add3A_643 = vector.broadcast %add3A_642 : f32 to vector<16xf32>
    %add3A_644 = arith.addf %add3A_643, %get3A_641 : vector<16xf32>
    %get3A_645 = arith.constant 176 : index
    %get3A_646 = tpu.vector_load %arg14[%get3A_645] {strides = array<i32>} : memref<512xf32, #tpu.memory_space<vmem>>, vector<16xf32>,
    %get3A_647 = vector.shape_cast %get3A_646 : vector<16xf32> to vector<16xf32>
    %add3A_648 = arith.addf %add3A_644, %get3A_647 : vector<16xf32>
    %swap3A_649 = arith.constant 176 : index
    %swap3A_650 = tpu.vector_load %arg16[%swap3A_649] {strides = array<i32>} : memref<512xf32, #tpu.memory_space<vmem>>, vector<16xf32>,
    %swap3A_651 = vector.shape_cast %swap3A_650 : vector<16xf32> to vector<16xf32>
    %swap3A_652 = vector.shape_cast %add3A_648 : vector<16xf32> to vector<16xf32>
    tpu.vector_store %arg16[%swap3A_649], %swap3A_652 {strides = array<i32>} : memref<512xf32, #tpu.memory_space<vmem>>, vector<16xf32>,
    %get3A_653 = arith.constant 192 : index
    %get3A_654 = tpu.vector_load %arg12[%get3A_653] {strides = array<i32>} : memref<512xf32, #tpu.memory_space<vmem>>, vector<16xf32>,
    %get3A_655 = vector.shape_cast %get3A_654 : vector<16xf32> to vector<16xf32>
    %add3A_656 = arith.constant 3.500000e+00 : f32
    %add3A_657 = vector.broadcast %add3A_656 : f32 to vector<16xf32>
    %add3A_658 = arith.addf %add3A_657, %get3A_655 : vector<16xf32>
    %get3A_659 = arith.constant 192 : index
    %get3A_660 = tpu.vector_load %arg14[%get3A_659] {strides = array<i32>} : memref<512xf32, #tpu.memory_space<vmem>>, vector<16xf32>,
    %get3A_661 = vector.shape_cast %get3A_660 : vector<16xf32> to vector<16xf32>
    %add3A_662 = arith.addf %add3A_658, %get3A_661 : vector<16xf32>
    %swap3A_663 = arith.constant 192 : index
    %swap3A_664 = tpu.vector_load %arg16[%swap3A_663] {strides = array<i32>} : memref<512xf32, #tpu.memory_space<vmem>>, vector<16xf32>,
    %swap3A_665 = vector.shape_cast %swap3A_664 : vector<16xf32> to vector<16xf32>
    %swap3A_666 = vector.shape_cast %add3A_662 : vector<16xf32> to vector<16xf32>
    tpu.vector_store %arg16[%swap3A_663], %swap3A_666 {strides = array<i32>} : memref<512xf32, #tpu.memory_space<vmem>>, vector<16xf32>,
    %get3A_667 = arith.constant 208 : index
    %get3A_668 = tpu.vector_load %arg12[%get3A_667] {strides = array<i32>} : memref<512xf32, #tpu.memory_space<vmem>>, vector<16xf32>,
    %get3A_669 = vector.shape_cast %get3A_668 : vector<16xf32> to vector<16xf32>
    %add3A_670 = arith.constant 3.500000e+00 : f32
    %add3A_671 = vector.broadcast %add3A_670 : f32 to vector<16xf32>
    %add3A_672 = arith.addf %add3A_671, %get3A_669 : vector<16xf32>
    %get3A_673 = arith.constant 208 : index
    %get3A_674 = tpu.vector_load %arg14[%get3A_673] {strides = array<i32>} : memref<512xf32, #tpu.memory_space<vmem>>, vector<16xf32>,
    %get3A_675 = vector.shape_cast %get3A_674 : vector<16xf32> to vector<16xf32>
    %add3A_676 = arith.addf %add3A_672, %get3A_675 : vector<16xf32>
    %swap3A_677 = arith.constant 208 : index
    %swap3A_678 = tpu.vector_load %arg16[%swap3A_677] {strides = array<i32>} : memref<512xf32, #tpu.memory_space<vmem>>, vector<16xf32>,
    %swap3A_679 = vector.shape_cast %swap3A_678 : vector<16xf32> to vector<16xf32>
    %swap3A_680 = vector.shape_cast %add3A_676 : vector<16xf32> to vector<16xf32>
    tpu.vector_store %arg16[%swap3A_677], %swap3A_680 {strides = array<i32>} : memref<512xf32, #tpu.memory_space<vmem>>, vector<16xf32>,
    %get3A_681 = arith.constant 224 : index
    %get3A_682 = tpu.vector_load %arg12[%get3A_681] {strides = array<i32>} : memref<512xf32, #tpu.memory_space<vmem>>, vector<16xf32>,
    %get3A_683 = vector.shape_cast %get3A_682 : vector<16xf32> to vector<16xf32>
    %add3A_684 = arith.constant 3.500000e+00 : f32
    %add3A_685 = vector.broadcast %add3A_684 : f32 to vector<16xf32>
    %add3A_686 = arith.addf %add3A_685, %get3A_683 : vector<16xf32>
    %get3A_687 = arith.constant 224 : index
    %get3A_688 = tpu.vector_load %arg14[%get3A_687] {strides = array<i32>} : memref<512xf32, #tpu.memory_space<vmem>>, vector<16xf32>,
    %get3A_689 = vector.shape_cast %get3A_688 : vector<16xf32> to vector<16xf32>
    %add3A_690 = arith.addf %add3A_686, %get3A_689 : vector<16xf32>
    %swap3A_691 = arith.constant 224 : index
    %swap3A_692 = tpu.vector_load %arg16[%swap3A_691] {strides = array<i32>} : memref<512xf32, #tpu.memory_space<vmem>>, vector<16xf32>,
    %swap3A_693 = vector.shape_cast %swap3A_692 : vector<16xf32> to vector<16xf32>
    %swap3A_694 = vector.shape_cast %add3A_690 : vector<16xf32> to vector<16xf32>
    tpu.vector_store %arg16[%swap3A_691], %swap3A_694 {strides = array<i32>} : memref<512xf32, #tpu.memory_space<vmem>>, vector<16xf32>,
    %get3A_695 = arith.constant 240 : index
    %get3A_696 = tpu.vector_load %arg12[%get3A_695] {strides = array<i32>} : memref<512xf32, #tpu.memory_space<vmem>>, vector<16xf32>,
    %get3A_697 = vector.shape_cast %get3A_696 : vector<16xf32> to vector<16xf32>
    %add3A_698 = arith.constant 3.500000e+00 : f32
    %add3A_699 = vector.broadcast %add3A_698 : f32 to vector<16xf32>
    %add3A_700 = arith.addf %add3A_699, %get3A_697 : vector<16xf32>
    %get3A_701 = arith.constant 240 : index
    %get3A_702 = tpu.vector_load %arg14[%get3A_701] {strides = array<i32>} : memref<512xf32, #tpu.memory_space<vmem>>, vector<16xf32>,
    %get3A_703 = vector.shape_cast %get3A_702 : vector<16xf32> to vector<16xf32>
    %add3A_704 = arith.addf %add3A_700, %get3A_703 : vector<16xf32>
    %swap3A_705 = arith.constant 240 : index
    %swap3A_706 = tpu.vector_load %arg16[%swap3A_705] {strides = array<i32>} : memref<512xf32, #tpu.memory_space<vmem>>, vector<16xf32>,
    %swap3A_707 = vector.shape_cast %swap3A_706 : vector<16xf32> to vector<16xf32>
    %swap3A_708 = vector.shape_cast %add3A_704 : vector<16xf32> to vector<16xf32>
    tpu.vector_store %arg16[%swap3A_705], %swap3A_708 {strides = array<i32>} : memref<512xf32, #tpu.memory_space<vmem>>, vector<16xf32>,
    %get3A_709 = arith.constant 256 : index
    %get3A_710 = tpu.vector_load %arg12[%get3A_709] {strides = array<i32>} : memref<512xf32, #tpu.memory_space<vmem>>, vector<16xf32>,
    %get3A_711 = vector.shape_cast %get3A_710 : vector<16xf32> to vector<16xf32>
    %add3A_712 = arith.constant 3.500000e+00 : f32
    %add3A_713 = vector.broadcast %add3A_712 : f32 to vector<16xf32>
    %add3A_714 = arith.addf %add3A_713, %get3A_711 : vector<16xf32>
    %get3A_715 = arith.constant 256 : index
    %get3A_716 = tpu.vector_load %arg14[%get3A_715] {strides = array<i32>} : memref<512xf32, #tpu.memory_space<vmem>>, vector<16xf32>,
    %get3A_717 = vector.shape_cast %get3A_716 : vector<16xf32> to vector<16xf32>
    %add3A_718 = arith.addf %add3A_714, %get3A_717 : vector<16xf32>
    %swap3A_719 = arith.constant 256 : index
    %swap3A_720 = tpu.vector_load %arg16[%swap3A_719] {strides = array<i32>} : memref<512xf32, #tpu.memory_space<vmem>>, vector<16xf32>,
    %swap3A_721 = vector.shape_cast %swap3A_720 : vector<16xf32> to vector<16xf32>
    %swap3A_722 = vector.shape_cast %add3A_718 : vector<16xf32> to vector<16xf32>
    tpu.vector_store %arg16[%swap3A_719], %swap3A_722 {strides = array<i32>} : memref<512xf32, #tpu.memory_space<vmem>>, vector<16xf32>,
    %get3A_723 = arith.constant 272 : index
    %get3A_724 = tpu.vector_load %arg12[%get3A_723] {strides = array<i32>} : memref<512xf32, #tpu.memory_space<vmem>>, vector<16xf32>,
    %get3A_725 = vector.shape_cast %get3A_724 : vector<16xf32> to vector<16xf32>
    %add3A_726 = arith.constant 3.500000e+00 : f32
    %add3A_727 = vector.broadcast %add3A_726 : f32 to vector<16xf32>
    %add3A_728 = arith.addf %add3A_727, %get3A_725 : vector<16xf32>
    %get3A_729 = arith.constant 272 : index
    %get3A_730 = tpu.vector_load %arg14[%get3A_729] {strides = array<i32>} : memref<512xf32, #tpu.memory_space<vmem>>, vector<16xf32>,
    %get3A_731 = vector.shape_cast %get3A_730 : vector<16xf32> to vector<16xf32>
    %add3A_732 = arith.addf %add3A_728, %get3A_731 : vector<16xf32>
    %swap3A_733 = arith.constant 272 : index
    %swap3A_734 = tpu.vector_load %arg16[%swap3A_733] {strides = array<i32>} : memref<512xf32, #tpu.memory_space<vmem>>, vector<16xf32>,
    %swap3A_735 = vector.shape_cast %swap3A_734 : vector<16xf32> to vector<16xf32>
    %swap3A_736 = vector.shape_cast %add3A_732 : vector<16xf32> to vector<16xf32>
    tpu.vector_store %arg16[%swap3A_733], %swap3A_736 {strides = array<i32>} : memref<512xf32, #tpu.memory_space<vmem>>, vector<16xf32>,
    %get3A_737 = arith.constant 288 : index
    %get3A_738 = tpu.vector_load %arg12[%get3A_737] {strides = array<i32>} : memref<512xf32, #tpu.memory_space<vmem>>, vector<16xf32>,
    %get3A_739 = vector.shape_cast %get3A_738 : vector<16xf32> to vector<16xf32>
    %add3A_740 = arith.constant 3.500000e+00 : f32
    %add3A_741 = vector.broadcast %add3A_740 : f32 to vector<16xf32>
    %add3A_742 = arith.addf %add3A_741, %get3A_739 : vector<16xf32>
    %get3A_743 = arith.constant 288 : index
    %get3A_744 = tpu.vector_load %arg14[%get3A_743] {strides = array<i32>} : memref<512xf32, #tpu.memory_space<vmem>>, vector<16xf32>,
    %get3A_745 = vector.shape_cast %get3A_744 : vector<16xf32> to vector<16xf32>
    %add3A_746 = arith.addf %add3A_742, %get3A_745 : vector<16xf32>
    %swap3A_747 = arith.constant 288 : index
    %swap3A_748 = tpu.vector_load %arg16[%swap3A_747] {strides = array<i32>} : memref<512xf32, #tpu.memory_space<vmem>>, vector<16xf32>,
    %swap3A_749 = vector.shape_cast %swap3A_748 : vector<16xf32> to vector<16xf32>
    %swap3A_750 = vector.shape_cast %add3A_746 : vector<16xf32> to vector<16xf32>
    tpu.vector_store %arg16[%swap3A_747], %swap3A_750 {strides = array<i32>} : memref<512xf32, #tpu.memory_space<vmem>>, vector<16xf32>,
    %get3A_751 = arith.constant 304 : index
    %get3A_752 = tpu.vector_load %arg12[%get3A_751] {strides = array<i32>} : memref<512xf32, #tpu.memory_space<vmem>>, vector<16xf32>,
    %get3A_753 = vector.shape_cast %get3A_752 : vector<16xf32> to vector<16xf32>
    %add3A_754 = arith.constant 3.500000e+00 : f32
    %add3A_755 = vector.broadcast %add3A_754 : f32 to vector<16xf32>
    %add3A_756 = arith.addf %add3A_755, %get3A_753 : vector<16xf32>
    %get3A_757 = arith.constant 304 : index
    %get3A_758 = tpu.vector_load %arg14[%get3A_757] {strides = array<i32>} : memref<512xf32, #tpu.memory_space<vmem>>, vector<16xf32>,
    %get3A_759 = vector.shape_cast %get3A_758 : vector<16xf32> to vector<16xf32>
    %add3A_760 = arith.addf %add3A_756, %get3A_759 : vector<16xf32>
    %swap3A_761 = arith.constant 304 : index
    %swap3A_762 = tpu.vector_load %arg16[%swap3A_761] {strides = array<i32>} : memref<512xf32, #tpu.memory_space<vmem>>, vector<16xf32>,
    %swap3A_763 = vector.shape_cast %swap3A_762 : vector<16xf32> to vector<16xf32>
    %swap3A_764 = vector.shape_cast %add3A_760 : vector<16xf32> to vector<16xf32>
    tpu.vector_store %arg16[%swap3A_761], %swap3A_764 {strides = array<i32>} : memref<512xf32, #tpu.memory_space<vmem>>, vector<16xf32>,
    %get3A_765 = arith.constant 320 : index
    %get3A_766 = tpu.vector_load %arg12[%get3A_765] {strides = array<i32>} : memref<512xf32, #tpu.memory_space<vmem>>, vector<16xf32>,
    %get3A_767 = vector.shape_cast %get3A_766 : vector<16xf32> to vector<16xf32>
    %add3A_768 = arith.constant 3.500000e+00 : f32
    %add3A_769 = vector.broadcast %add3A_768 : f32 to vector<16xf32>
    %add3A_770 = arith.addf %add3A_769, %get3A_767 : vector<16xf32>
    %get3A_771 = arith.constant 320 : index
    %get3A_772 = tpu.vector_load %arg14[%get3A_771] {strides = array<i32>} : memref<512xf32, #tpu.memory_space<vmem>>, vector<16xf32>,
    %get3A_773 = vector.shape_cast %get3A_772 : vector<16xf32> to vector<16xf32>
    %add3A_774 = arith.addf %add3A_770, %get3A_773 : vector<16xf32>
    %swap3A_775 = arith.constant 320 : index
    %swap3A_776 = tpu.vector_load %arg16[%swap3A_775] {strides = array<i32>} : memref<512xf32, #tpu.memory_space<vmem>>, vector<16xf32>,
    %swap3A_777 = vector.shape_cast %swap3A_776 : vector<16xf32> to vector<16xf32>
    %swap3A_778 = vector.shape_cast %add3A_774 : vector<16xf32> to vector<16xf32>
    tpu.vector_store %arg16[%swap3A_775], %swap3A_778 {strides = array<i32>} : memref<512xf32, #tpu.memory_space<vmem>>, vector<16xf32>,
    %get3A_779 = arith.constant 336 : index
    %get3A_780 = tpu.vector_load %arg12[%get3A_779] {strides = array<i32>} : memref<512xf32, #tpu.memory_space<vmem>>, vector<16xf32>,
    %get3A_781 = vector.shape_cast %get3A_780 : vector<16xf32> to vector<16xf32>
    %add3A_782 = arith.constant 3.500000e+00 : f32
    %add3A_783 = vector.broadcast %add3A_782 : f32 to vector<16xf32>
    %add3A_784 = arith.addf %add3A_783, %get3A_781 : vector<16xf32>
    %get3A_785 = arith.constant 336 : index
    %get3A_786 = tpu.vector_load %arg14[%get3A_785] {strides = array<i32>} : memref<512xf32, #tpu.memory_space<vmem>>, vector<16xf32>,
    %get3A_787 = vector.shape_cast %get3A_786 : vector<16xf32> to vector<16xf32>
    %add3A_788 = arith.addf %add3A_784, %get3A_787 : vector<16xf32>
    %swap3A_789 = arith.constant 336 : index
    %swap3A_790 = tpu.vector_load %arg16[%swap3A_789] {strides = array<i32>} : memref<512xf32, #tpu.memory_space<vmem>>, vector<16xf32>,
    %swap3A_791 = vector.shape_cast %swap3A_790 : vector<16xf32> to vector<16xf32>
    %swap3A_792 = vector.shape_cast %add3A_788 : vector<16xf32> to vector<16xf32>
    tpu.vector_store %arg16[%swap3A_789], %swap3A_792 {strides = array<i32>} : memref<512xf32, #tpu.memory_space<vmem>>, vector<16xf32>,
    %get3A_793 = arith.constant 352 : index
    %get3A_794 = tpu.vector_load %arg12[%get3A_793] {strides = array<i32>} : memref<512xf32, #tpu.memory_space<vmem>>, vector<16xf32>,
    %get3A_795 = vector.shape_cast %get3A_794 : vector<16xf32> to vector<16xf32>
    %add3A_796 = arith.constant 3.500000e+00 : f32
    %add3A_797 = vector.broadcast %add3A_796 : f32 to vector<16xf32>
    %add3A_798 = arith.addf %add3A_797, %get3A_795 : vector<16xf32>
    %get3A_799 = arith.constant 352 : index
    %get3A_800 = tpu.vector_load %arg14[%get3A_799] {strides = array<i32>} : memref<512xf32, #tpu.memory_space<vmem>>, vector<16xf32>,
    %get3A_801 = vector.shape_cast %get3A_800 : vector<16xf32> to vector<16xf32>
    %add3A_802 = arith.addf %add3A_798, %get3A_801 : vector<16xf32>
    %swap3A_803 = arith.constant 352 : index
    %swap3A_804 = tpu.vector_load %arg16[%swap3A_803] {strides = array<i32>} : memref<512xf32, #tpu.memory_space<vmem>>, vector<16xf32>,
    %swap3A_805 = vector.shape_cast %swap3A_804 : vector<16xf32> to vector<16xf32>
    %swap3A_806 = vector.shape_cast %add3A_802 : vector<16xf32> to vector<16xf32>
    tpu.vector_store %arg16[%swap3A_803], %swap3A_806 {strides = array<i32>} : memref<512xf32, #tpu.memory_space<vmem>>, vector<16xf32>,
    %get3A_807 = arith.constant 368 : index
    %get3A_808 = tpu.vector_load %arg12[%get3A_807] {strides = array<i32>} : memref<512xf32, #tpu.memory_space<vmem>>, vector<16xf32>,
    %get3A_809 = vector.shape_cast %get3A_808 : vector<16xf32> to vector<16xf32>
    %add3A_810 = arith.constant 3.500000e+00 : f32
    %add3A_811 = vector.broadcast %add3A_810 : f32 to vector<16xf32>
    %add3A_812 = arith.addf %add3A_811, %get3A_809 : vector<16xf32>
    %get3A_813 = arith.constant 368 : index
    %get3A_814 = tpu.vector_load %arg14[%get3A_813] {strides = array<i32>} : memref<512xf32, #tpu.memory_space<vmem>>, vector<16xf32>,
    %get3A_815 = vector.shape_cast %get3A_814 : vector<16xf32> to vector<16xf32>
    %add3A_816 = arith.addf %add3A_812, %get3A_815 : vector<16xf32>
    %swap3A_817 = arith.constant 368 : index
    %swap3A_818 = tpu.vector_load %arg16[%swap3A_817] {strides = array<i32>} : memref<512xf32, #tpu.memory_space<vmem>>, vector<16xf32>,
    %swap3A_819 = vector.shape_cast %swap3A_818 : vector<16xf32> to vector<16xf32>
    %swap3A_820 = vector.shape_cast %add3A_816 : vector<16xf32> to vector<16xf32>
    tpu.vector_store %arg16[%swap3A_817], %swap3A_820 {strides = array<i32>} : memref<512xf32, #tpu.memory_space<vmem>>, vector<16xf32>,
    %get3A_821 = arith.constant 384 : index
    %get3A_822 = tpu.vector_load %arg12[%get3A_821] {strides = array<i32>} : memref<512xf32, #tpu.memory_space<vmem>>, vector<16xf32>,
    %get3A_823 = vector.shape_cast %get3A_822 : vector<16xf32> to vector<16xf32>
    %add3A_824 = arith.constant 3.500000e+00 : f32
    %add3A_825 = vector.broadcast %add3A_824 : f32 to vector<16xf32>
    %add3A_826 = arith.addf %add3A_825, %get3A_823 : vector<16xf32>
    %get3A_827 = arith.constant 384 : index
    %get3A_828 = tpu.vector_load %arg14[%get3A_827] {strides = array<i32>} : memref<512xf32, #tpu.memory_space<vmem>>, vector<16xf32>,
    %get3A_829 = vector.shape_cast %get3A_828 : vector<16xf32> to vector<16xf32>
    %add3A_830 = arith.addf %add3A_826, %get3A_829 : vector<16xf32>
    %swap3A_831 = arith.constant 384 : index
    %swap3A_832 = tpu.vector_load %arg16[%swap3A_831] {strides = array<i32>} : memref<512xf32, #tpu.memory_space<vmem>>, vector<16xf32>,
    %swap3A_833 = vector.shape_cast %swap3A_832 : vector<16xf32> to vector<16xf32>
    %swap3A_834 = vector.shape_cast %add3A_830 : vector<16xf32> to vector<16xf32>
    tpu.vector_store %arg16[%swap3A_831], %swap3A_834 {strides = array<i32>} : memref<512xf32, #tpu.memory_space<vmem>>, vector<16xf32>,
    %get3A_835 = arith.constant 400 : index
    %get3A_836 = tpu.vector_load %arg12[%get3A_835] {strides = array<i32>} : memref<512xf32, #tpu.memory_space<vmem>>, vector<16xf32>,
    %get3A_837 = vector.shape_cast %get3A_836 : vector<16xf32> to vector<16xf32>
    %add3A_838 = arith.constant 3.500000e+00 : f32
    %add3A_839 = vector.broadcast %add3A_838 : f32 to vector<16xf32>
    %add3A_840 = arith.addf %add3A_839, %get3A_837 : vector<16xf32>
    %get3A_841 = arith.constant 400 : index
    %get3A_842 = tpu.vector_load %arg14[%get3A_841] {strides = array<i32>} : memref<512xf32, #tpu.memory_space<vmem>>, vector<16xf32>,
    %get3A_843 = vector.shape_cast %get3A_842 : vector<16xf32> to vector<16xf32>
    %add3A_844 = arith.addf %add3A_840, %get3A_843 : vector<16xf32>
    %swap3A_845 = arith.constant 400 : index
    %swap3A_846 = tpu.vector_load %arg16[%swap3A_845] {strides = array<i32>} : memref<512xf32, #tpu.memory_space<vmem>>, vector<16xf32>,
    %swap3A_847 = vector.shape_cast %swap3A_846 : vector<16xf32> to vector<16xf32>
    %swap3A_848 = vector.shape_cast %add3A_844 : vector<16xf32> to vector<16xf32>
    tpu.vector_store %arg16[%swap3A_845], %swap3A_848 {strides = array<i32>} : memref<512xf32, #tpu.memory_space<vmem>>, vector<16xf32>,
    %get3A_849 = arith.constant 416 : index
    %get3A_850 = tpu.vector_load %arg12[%get3A_849] {strides = array<i32>} : memref<512xf32, #tpu.memory_space<vmem>>, vector<16xf32>,
    %get3A_851 = vector.shape_cast %get3A_850 : vector<16xf32> to vector<16xf32>
    %add3A_852 = arith.constant 3.500000e+00 : f32
    %add3A_853 = vector.broadcast %add3A_852 : f32 to vector<16xf32>
    %add3A_854 = arith.addf %add3A_853, %get3A_851 : vector<16xf32>
    %get3A_855 = arith.constant 416 : index
    %get3A_856 = tpu.vector_load %arg14[%get3A_855] {strides = array<i32>} : memref<512xf32, #tpu.memory_space<vmem>>, vector<16xf32>,
    %get3A_857 = vector.shape_cast %get3A_856 : vector<16xf32> to vector<16xf32>
    %add3A_858 = arith.addf %add3A_854, %get3A_857 : vector<16xf32>
    %swap3A_859 = arith.constant 416 : index
    %swap3A_860 = tpu.vector_load %arg16[%swap3A_859] {strides = array<i32>} : memref<512xf32, #tpu.memory_space<vmem>>, vector<16xf32>,
    %swap3A_861 = vector.shape_cast %swap3A_860 : vector<16xf32> to vector<16xf32>
    %swap3A_862 = vector.shape_cast %add3A_858 : vector<16xf32> to vector<16xf32>
    tpu.vector_store %arg16[%swap3A_859], %swap3A_862 {strides = array<i32>} : memref<512xf32, #tpu.memory_space<vmem>>, vector<16xf32>,
    %get3A_863 = arith.constant 432 : index
    %get3A_864 = tpu.vector_load %arg12[%get3A_863] {strides = array<i32>} : memref<512xf32, #tpu.memory_space<vmem>>, vector<16xf32>,
    %get3A_865 = vector.shape_cast %get3A_864 : vector<16xf32> to vector<16xf32>
    %add3A_866 = arith.constant 3.500000e+00 : f32
    %add3A_867 = vector.broadcast %add3A_866 : f32 to vector<16xf32>
    %add3A_868 = arith.addf %add3A_867, %get3A_865 : vector<16xf32>
    %get3A_869 = arith.constant 432 : index
    %get3A_870 = tpu.vector_load %arg14[%get3A_869] {strides = array<i32>} : memref<512xf32, #tpu.memory_space<vmem>>, vector<16xf32>,
    %get3A_871 = vector.shape_cast %get3A_870 : vector<16xf32> to vector<16xf32>
    %add3A_872 = arith.addf %add3A_868, %get3A_871 : vector<16xf32>
    %swap3A_873 = arith.constant 432 : index
    %swap3A_874 = tpu.vector_load %arg16[%swap3A_873] {strides = array<i32>} : memref<512xf32, #tpu.memory_space<vmem>>, vector<16xf32>,
    %swap3A_875 = vector.shape_cast %swap3A_874 : vector<16xf32> to vector<16xf32>
    %swap3A_876 = vector.shape_cast %add3A_872 : vector<16xf32> to vector<16xf32>
    tpu.vector_store %arg16[%swap3A_873], %swap3A_876 {strides = array<i32>} : memref<512xf32, #tpu.memory_space<vmem>>, vector<16xf32>,
    %get3A_877 = arith.constant 448 : index
    %get3A_878 = tpu.vector_load %arg12[%get3A_877] {strides = array<i32>} : memref<512xf32, #tpu.memory_space<vmem>>, vector<16xf32>,
    %get3A_879 = vector.shape_cast %get3A_878 : vector<16xf32> to vector<16xf32>
    %add3A_880 = arith.constant 3.500000e+00 : f32
    %add3A_881 = vector.broadcast %add3A_880 : f32 to vector<16xf32>
    %add3A_882 = arith.addf %add3A_881, %get3A_879 : vector<16xf32>
    %get3A_883 = arith.constant 448 : index
    %get3A_884 = tpu.vector_load %arg14[%get3A_883] {strides = array<i32>} : memref<512xf32, #tpu.memory_space<vmem>>, vector<16xf32>,
    %get3A_885 = vector.shape_cast %get3A_884 : vector<16xf32> to vector<16xf32>
    %add3A_886 = arith.addf %add3A_882, %get3A_885 : vector<16xf32>
    %swap3A_887 = arith.constant 448 : index
    %swap3A_888 = tpu.vector_load %arg16[%swap3A_887] {strides = array<i32>} : memref<512xf32, #tpu.memory_space<vmem>>, vector<16xf32>,
    %swap3A_889 = vector.shape_cast %swap3A_888 : vector<16xf32> to vector<16xf32>
    %swap3A_890 = vector.shape_cast %add3A_886 : vector<16xf32> to vector<16xf32>
    tpu.vector_store %arg16[%swap3A_887], %swap3A_890 {strides = array<i32>} : memref<512xf32, #tpu.memory_space<vmem>>, vector<16xf32>,
    %get3A_891 = arith.constant 464 : index
    %get3A_892 = tpu.vector_load %arg12[%get3A_891] {strides = array<i32>} : memref<512xf32, #tpu.memory_space<vmem>>, vector<16xf32>,
    %get3A_893 = vector.shape_cast %get3A_892 : vector<16xf32> to vector<16xf32>
    %add3A_894 = arith.constant 3.500000e+00 : f32
    %add3A_895 = vector.broadcast %add3A_894 : f32 to vector<16xf32>
    %add3A_896 = arith.addf %add3A_895, %get3A_893 : vector<16xf32>
    %get3A_897 = arith.constant 464 : index
    %get3A_898 = tpu.vector_load %arg14[%get3A_897] {strides = array<i32>} : memref<512xf32, #tpu.memory_space<vmem>>, vector<16xf32>,
    %get3A_899 = vector.shape_cast %get3A_898 : vector<16xf32> to vector<16xf32>
    %add3A_900 = arith.addf %add3A_896, %get3A_899 : vector<16xf32>
    %swap3A_901 = arith.constant 464 : index
    %swap3A_902 = tpu.vector_load %arg16[%swap3A_901] {strides = array<i32>} : memref<512xf32, #tpu.memory_space<vmem>>, vector<16xf32>,
    %swap3A_903 = vector.shape_cast %swap3A_902 : vector<16xf32> to vector<16xf32>
    %swap3A_904 = vector.shape_cast %add3A_900 : vector<16xf32> to vector<16xf32>
    tpu.vector_store %arg16[%swap3A_901], %swap3A_904 {strides = array<i32>} : memref<512xf32, #tpu.memory_space<vmem>>, vector<16xf32>,
    %get3A_905 = arith.constant 480 : index
    %get3A_906 = tpu.vector_load %arg12[%get3A_905] {strides = array<i32>} : memref<512xf32, #tpu.memory_space<vmem>>, vector<16xf32>,
    %get3A_907 = vector.shape_cast %get3A_906 : vector<16xf32> to vector<16xf32>
    %add3A_908 = arith.constant 3.500000e+00 : f32
    %add3A_909 = vector.broadcast %add3A_908 : f32 to vector<16xf32>
    %add3A_910 = arith.addf %add3A_909, %get3A_907 : vector<16xf32>
    %get3A_911 = arith.constant 480 : index
    %get3A_912 = tpu.vector_load %arg14[%get3A_911] {strides = array<i32>} : memref<512xf32, #tpu.memory_space<vmem>>, vector<16xf32>,
    %get3A_913 = vector.shape_cast %get3A_912 : vector<16xf32> to vector<16xf32>
    %add3A_914 = arith.addf %add3A_910, %get3A_913 : vector<16xf32>
    %swap3A_915 = arith.constant 480 : index
    %swap3A_916 = tpu.vector_load %arg16[%swap3A_915] {strides = array<i32>} : memref<512xf32, #tpu.memory_space<vmem>>, vector<16xf32>,
    %swap3A_917 = vector.shape_cast %swap3A_916 : vector<16xf32> to vector<16xf32>
    %swap3A_918 = vector.shape_cast %add3A_914 : vector<16xf32> to vector<16xf32>
    tpu.vector_store %arg16[%swap3A_915], %swap3A_918 {strides = array<i32>} : memref<512xf32, #tpu.memory_space<vmem>>, vector<16xf32>,
    %get3A_919 = arith.constant 496 : index
    %get3A_920 = tpu.vector_load %arg12[%get3A_919] {strides = array<i32>} : memref<512xf32, #tpu.memory_space<vmem>>, vector<16xf32>,
    %get3A_921 = vector.shape_cast %get3A_920 : vector<16xf32> to vector<16xf32>
    %add3A_922 = arith.constant 3.500000e+00 : f32
    %add3A_923 = vector.broadcast %add3A_922 : f32 to vector<16xf32>
    %add3A_924 = arith.addf %add3A_923, %get3A_921 : vector<16xf32>
    %get3A_925 = arith.constant 496 : index
    %get3A_926 = tpu.vector_load %arg14[%get3A_925] {strides = array<i32>} : memref<512xf32, #tpu.memory_space<vmem>>, vector<16xf32>,
    %get3A_927 = vector.shape_cast %get3A_926 : vector<16xf32> to vector<16xf32>
    %add3A_928 = arith.addf %add3A_924, %get3A_927 : vector<16xf32>
    %swap3A_929 = arith.constant 496 : index
    %swap3A_930 = tpu.vector_load %arg16[%swap3A_929] {strides = array<i32>} : memref<512xf32, #tpu.memory_space<vmem>>, vector<16xf32>,
    %swap3A_931 = vector.shape_cast %swap3A_930 : vector<16xf32> to vector<16xf32>
    %swap3A_932 = vector.shape_cast %add3A_928 : vector<16xf32> to vector<16xf32>
    tpu.vector_store %arg16[%swap3A_929], %swap3A_932 {strides = array<i32>} : memref<512xf32, #tpu.memory_space<vmem>>, vector<16xf32>,
    %dma_start3A_933 = tpu.memref_slice %arg6[%add3A_6] : memref<16384xf32, #tpu.memory_space<hbm>> -> memref<512xf32, #tpu.memory_space<hbm>>
    %dma_start3A_934 = tpu.memref_slice %arg6[%add3A_6] : memref<16384xf32, #tpu.memory_space<hbm>> -> memref<512xf32, #tpu.memory_space<hbm>>
    tpu.enqueue_dma source(%arg16 : memref<512xf32, #tpu.memory_space<vmem>>) target(%dma_start3A_934 : memref<512xf32, #tpu.memory_space<hbm>>) target_semaphore(%arg18 : memref<!tpu.dma_semaphore, #tpu.memory_space<semaphore_mem>>)
    %dma_wait3A_935 = tpu.memref_slice %arg6[%add3A_4] : memref<16384xf32, #tpu.memory_space<hbm>> -> memref<512xf32, #tpu.memory_space<hbm>>
    %dma_wait3A_936 = tpu.memref_slice %arg6[%add3A_4] : memref<16384xf32, #tpu.memory_space<hbm>> -> memref<512xf32, #tpu.memory_space<hbm>>
    tpu.wait_dma2 semaphore(%arg17 : memref<!tpu.dma_semaphore, #tpu.memory_space<semaphore_mem>>) src(%arg15 : memref<512xf32, #tpu.memory_space<vmem>>) dst(%dma_wait3A_936 : memref<512xf32, #tpu.memory_space<hbm>>)
    %dma_wait3A_937 = tpu.memref_slice %arg6[%add3A_6] : memref<16384xf32, #tpu.memory_space<hbm>> -> memref<512xf32, #tpu.memory_space<hbm>>
    %dma_wait3A_938 = tpu.memref_slice %arg6[%add3A_6] : memref<16384xf32, #tpu.memory_space<hbm>> -> memref<512xf32, #tpu.memory_space<hbm>>
    tpu.wait_dma2 semaphore(%arg18 : memref<!tpu.dma_semaphore, #tpu.memory_space<semaphore_mem>>) src(%arg16 : memref<512xf32, #tpu.memory_space<vmem>>) dst(%dma_wait3A_938 : memref<512xf32, #tpu.memory_space<hbm>>)
    return
  }
}

</mosaic_0001>

<sc_bundles>
// kernel: kernel.3.cloned.1.call-start
scs
__scs_entry_jumppad:
0x0: {  	(pc) =	sbr.rel $0x88, $3  }
0x1: {  	(tag) =	ssettag $0x0;
	lr =	simm.s32 $0x1  }
0x2: {  	[smem:$0x3F9D] =	sst lr;
	_ =	strace $0xD0000000  }
0x3: {  	_ = 	snop  }
0x4: {  	_ = 	snop  }
0x5: {  	_ = 	snop  }
0x6: {  	_ = 	snop  }
0x7: {  	_ = 	snop  }
__scs_overlays_trampoline_lowered:
0x8: {  	[smem:$0x3FAC] =	sst s0  }
0x9: {  	[smem:$0x3FAD] =	sst s1  }
0xa: {  	[smem:$0x3FAE] =	sst s2  }
0xb: {  	[smem:$0x3FAF] =	sst s3  }
0xc: {  	[smem:$0x3FB0] =	sst s4  }
0xd: {  	[smem:$0x3FB1] =	sst s5  }
0xe: {  	[smem:$0x3FB2] =	sst s6  }
0xf: {  	[smem:$0x3FB3] =	sst s7  }
0x10: {  	[smem:$0x3FB4] =	sst s8  }
0x11: {  	[smem:$0x3FB5] =	sst s9;
	s0 =	simm.s32 @!p0 $0x0  }
0x12: {  	s1 =	sld [smem:$0x3F9B];
	s0 =	simm.s32 @p0 $0x1  }
0x13: {  	[smem:$0x3FB6] =	sst s0;
	s0 =	simm.s32 @!p1 $0x0  }
0x14: {  	s2 =	sld [smem:$0x3F9A];
	s0 =	simm.s32 @p1 $0x1  }
0x15: {  	[smem:$0x3FB7] =	sst s0;
	s0 =	simm.s32 @!p2 $0x0  }
0x16: {  	s3 =	sld [smem:$0x3FDB];
	s0 =	simm.s32 @p2 $0x1  }
0x17: {  	s4 =	simm.s32 $0x1BF5;
	[smem:$0x3FB9] =	sst s0  }
0x18: {  	s0 =	sld [smem:$0x3F9C];
	_ =	swait.ge [sflag:s4], $0x0  }
0x19: {  	s7 =	sld [smem:$0x3F9D]  }
0x1a: {  	s8 =	sadd.s32 $0xFFFFE003, lr  }
0x1b: {  	s9 =	sadd.s32 $0xFFFFFEF7, lr;
	s5 =	simm.s32 $0xFFFFFFFF;
	p2 =	slt.u32 s8, $0xFFFFF086  }
0x1c: {  	p1 =	slt.u32 s9, $0xF7A;
	s5 =	simm.s32 @!p2 $0x0  }
0x1d: {  	s5 =	simm.s32 @p1 $0x1;
	p0 =	seq.s32 s7, s2  }
0x1e: {  	s7 =	smul.u32 @!p0 $0xF7A, s2;
	p2 =	seq.s32 @!p0 s5, $0x0  }
0x1f: {  	s9 =	smul.u32 $0xF7A, s1;
	s8 =	simm.s32 @!p0 $0x1BF5;
	p2 =	por !p2, p0  }
0x20: {  	[sflag:s8] =	ssyncset.s32 @!p0 $0xFFFFF086;
	s6 =	sadd.s32 @!p0 s3, s7;
	s7 =	simm.s32 @!p0 $0x108  }
0x21: {  	s3 =	sadd.s32 s3, s9;
	s6 =	sadd.s32 @!p0 $0x88, s6;
	s7 =	simm.s32 @p2 $0x1082  }
0x22: {  	[simem:s7], [sflag:s8] =	dma.local @!p0 [hbm:s6], $0xF7A  }
0x23: {  	s9 =	sor.u32 $0xD0000000, s2;
	s6 =	simm.s32 $0x108;
	_ =	swait.ge @!p0 [sflag:s8], $0x0  }
0x24: {  	s3 =	sadd.s32 $0x88, s3;
	s6 =	simm.s32 @!p1 $0x1082;
	[sflag:s4] =	ssyncset.s32 $0xFFFFF086  }
0x25: {  	[simem:s6], [sflag:s4] =	dma.local [hbm:s3], $0xF7A  }
0x26: {  	[smem:$0x3F9D] =	sst s1;
	(tag) =	ssettag s2;
	_ =	strace s9  }
0x27: {  	s1 =	sld [smem:$0x3FAD]  }
0x28: {  	s2 =	sld [smem:$0x3FAE]  }
0x29: {  	s4 =	sld [smem:$0x3FB0]  }
0x2a: {  	p0 =	seq.s32 s5, $0x0;
	s5 =	sld [smem:$0x3FB1]  }
0x2b: {  	s6 =	sld [smem:$0x3FB2]  }
0x2c: {  	s7 =	sld [smem:$0x3FB3]  }
0x2d: {  	s3 =	simm.s32 $0x108;
	s8 =	sld [smem:$0x3FB4]  }
0x2e: {  	s3 =	simm.s32 @!p0 $0x1082;
	s9 =	sld [smem:$0x3FB5]  }
0x2f: {  	lr =	sadd.s32 s0, s3;
	s0 =	sld [smem:$0x3FAC]  }
0x30: {  	s3 =	sld [smem:$0x3FAF]  }
0x31: {  	[smem:$0x3FB8] =	sst s10  }
0x32: {  	s10 =	sld [smem:$0x3FB6];
	_ =	sdelay $0x3  }
0x33: {  	p0 =	seq.s32 s10, $0x1;
	s10 =	sld [smem:$0x3FB8];
	_ =	sdelay $0x3  }
0x34: {  	[smem:$0x3FB8] =	sst s10  }
0x35: {  	s10 =	sld [smem:$0x3FB7];
	_ =	sdelay $0x3  }
0x36: {  	p1 =	seq.s32 s10, $0x1;
	s10 =	sld [smem:$0x3FB8];
	_ =	sdelay $0x3  }
0x37: {  	[smem:$0x3FB8] =	sst s10  }
0x38: {  	s10 =	sld [smem:$0x3FB9]  }
0x39: {  	_ = 	snop;
	(pc) =	sbr.ind lr, $3  }
0x3a: {  	_ = 	snop  }
0x3b: {  	_ = 	snop  }
0x3c: {  	p2 =	seq.s32 s10, $0x1;
	s10 =	sld [smem:$0x3FB8]  }
0x3d: {  	_ =	shalt  }
0x3e: {  	_ =	shalt  }
0x3f: {  	_ =	shalt  }
0x40: {  	_ =	shalt  }
0x41: {  	_ =	shalt  }
0x42: {  	_ =	shalt  }
0x43: {  	_ =	shalt  }
0x44: {  	_ =	shalt  }
0x45: {  	_ =	shalt  }
0x46: {  	_ =	shalt  }
0x47: {  	_ =	shalt  }
0x48: {  	_ =	shalt  }
0x49: {  	_ =	shalt  }
0x4a: {  	_ =	shalt  }
0x4b: {  	_ =	shalt  }
0x4c: {  	_ =	shalt  }
0x4d: {  	_ =	shalt  }
0x4e: {  	_ =	shalt  }
0x4f: {  	_ =	shalt  }
0x50: {  	_ =	shalt  }
0x51: {  	_ =	shalt  }
0x52: {  	_ =	shalt  }
0x53: {  	_ =	shalt  }
0x54: {  	_ =	shalt  }
0x55: {  	_ =	shalt  }
0x56: {  	_ =	shalt  }
0x57: {  	_ =	shalt  }
0x58: {  	_ =	shalt  }
0x59: {  	_ =	shalt  }
0x5a: {  	_ =	shalt  }
0x5b: {  	_ =	shalt  }
0x5c: {  	_ =	shalt  }
0x5d: {  	_ =	shalt  }
0x5e: {  	_ =	shalt  }
0x5f: {  	_ =	shalt  }
0x60: {  	_ =	shalt  }
0x61: {  	_ =	shalt  }
0x62: {  	_ =	shalt  }
0x63: {  	_ =	shalt  }
0x64: {  	_ =	shalt  }
0x65: {  	_ =	shalt  }
0x66: {  	_ =	shalt  }
0x67: {  	_ =	shalt  }
0x68: {  	_ =	shalt  }
0x69: {  	_ =	shalt  }
0x6a: {  	_ =	shalt  }
0x6b: {  	_ =	shalt  }
0x6c: {  	_ =	shalt  }
0x6d: {  	_ =	shalt  }
0x6e: {  	_ =	shalt  }
0x6f: {  	_ =	shalt  }
0x70: {  	_ =	shalt  }
0x71: {  	_ =	shalt  }
0x72: {  	_ =	shalt  }
0x73: {  	_ =	shalt  }
0x74: {  	_ =	shalt  }
0x75: {  	_ =	shalt  }
0x76: {  	_ =	shalt  }
0x77: {  	_ =	shalt  }
0x78: {  	_ =	shalt  }
0x79: {  	_ =	shalt  }
0x7a: {  	_ =	shalt  }
0x7b: {  	_ =	shalt  }
0x7c: {  	_ =	shalt  }
0x7d: {  	_ =	shalt  }
0x7e: {  	_ =	shalt  }
0x7f: {  	_ =	shalt  }
0x80: {  	_ =	shalt  }
0x81: {  	_ =	shalt  }
0x82: {  	_ =	shalt  }
0x83: {  	_ =	shalt  }
0x84: {  	_ =	shalt  }
0x85: {  	_ =	shalt  }
0x86: {  	_ =	shalt  }
0x87: {  	_ =	shalt  }
.Lfunc_end0:
.L_simem_size_0:
called_computation_lowered:
.L_overlay_start_0:
0x88: {  	s0 =	sld [smem:$0x3FD9]  }
0x89: {  	s1 =	sld [smem:$0x3FFE];
	_ =	sdelay $0x3  }
0x8a: {  	s0 =	sadd.s32 s1, s0  }
0x8b: {  	[smem:$0x3FC4] =	sst s0  }
0x8c: {  	_ = 	snop  }
0x8d: {  	s0 =	sld [smem:$0x3FC9]  }
0x8e: {  	s16 =	sld [smem:$0x3FC8]  }
0x8f: {  	s2 =	sld [smem:$0x3FD0];
	(tm) =	ssettm $0x1  }
0x90: {  	s3 =	sld [smem:$0x3FFB];
	_ =	sdelay $0x3  }
0x91: {  	_ =	strace s3  }
0x92: {  	s3 =	sld [smem:$0x3FFC];
	_ =	sdelay $0x3  }
0x93: {  	_ =	strace s3  }
0x94: {  	s3 =	sld [smem:$0x3FFD];
	_ =	sdelay $0x3  }
0x95: {  	_ =	strace s3  }
0x96: {  	_ =	strace $0x8FFFFFFF  }
0x97: {  	s17 =	sld [smem:$0x3FDB];
	_ =	sdelay $0x1  }
0x98: {  	s4 =	simm.s32 $_scs_section_size  }
0x99: {  	s5 =	simm.s32 $_size__tile_overlayer_lowered;
	s6 =	simm.s32 $_tile_overlayer_lowered  }
0x9a: {  	s20 =	simm.s32 $0x1BFF;
	s19 =	sshll.u32 s6, $0x1;
	s3 =	sadd.s32 s4, s17  }
0x9b: {  	s7 =	simm.s32 $0x0;
	s18 =	sshll.u32 s5, $0x1;
	s5 =	sadd.s32 s19, s3  }
0x9c: {  	[timem:s7], [sflag:s20] =	dma.local [hbm:s5], s18  }
0x9d: {  	_ =	swait.ge [sflag:s20], s18  }
0x9e: {  	s4 =	ssub.s32 $0x0, s18;
	[sflag:s20] =	ssyncset.done $0x0  }
0x9f: {  	[sflag:s20] =	ssyncadd.s32 s4;
	_ =	sdelay $0x1  }
0xa0: {  	s21 =	simm.s32 $0x1B8B  }
0xa1: {  	_ =	swait.ge [sflag:s21], $0x1  }
0xa2: {  	[sflag:s21] =	ssyncset.done $0x0  }
0xa3: {  	s23 =	simm.s32 $0x1B8E;
	s22 =	sld [smem:$0x3FFE];
	[sflag:s21] =	ssyncadd.s32 $0xFFFFFFFF  }
0xa4: {  	s24 =	simm.s32 $execute0_lowered;
	[smem:$0x3FD2] =	sst s23  }
0xa5: {  	s5 =	sshll.u32 s24, $0x1;
	_ =	strace $0x80000046;
	[dreg:$0x1] =	wrdreg $0xFFFFFFFF  }
0xa6: {  	s25 =	simm.s32 $_size_execute0_lowered;
	s3 =	sadd.s32 s3, s5;
	[dreg:$0x0] =	wrdreg $0x0  }
0xa7: {  	s5 =	sshll.u32 s25, $0x1;
	[dreg:$0x2] =	wrdreg s3  }
0xa8: {  	[dreg:$0x3] =	wrdreg s5  }
0xa9: {  	[dreg:$0x4] =	wrdreg $0xC0  }
0xaa: {  	_ =	task [dreg:s7], $0x5FFFF  }
0xab: {  	[dreg:$0x1] =	wrdreg $0xFFFFFFFF  }
0xac: {  	[dreg:$0x0] =	wrdreg $0x60  }
0xad: {  	[dreg:$0x2] =	wrdreg s0  }
0xae: {  	[dreg:$0x3] =	wrdreg s16  }
0xaf: {  	[dreg:$0x4] =	wrdreg s22  }
0xb0: {  	[dreg:$0x5] =	wrdreg s2  }
0xb1: {  	[dreg:$0x6] =	wrdreg $0x9  }
0xb2: {  	_ =	task.clear_ibuf [dreg:s7], $0x7FFFF;
	_ =	strace $0x90000046  }
0xb3: {  	s26 =	simm.s32 $0x9;
	_ =	strace $0x80000048  }
0xb4: {  	_ =	swait.ge [sflag:s26], $0x1  }
0xb5: {  	[sflag:s26] =	ssyncadd.s32 $0xFFFFFFFF  }
0xb6: {  	_ =	strace $0x90000048  }
0xb7: {  	_ =	sfence  }
0xb8: {  	s28 =	sld [smem:$0x0];
	_ =	sdelay $0x1  }
0xb9: {  	s29 =	srdreg.scid  }
0xba: {  	s30 =	sshll.u32 s29, $0xD;
	s31 =	sshrl.u32 s29, $0x2  }
0xbb: {  	s1 =	sand.u32 $0x1, s29;
	s2 =	sand.u32 $0x4000, s30;
	s0 =	sadd.s32 s31, s28  }
0xbc: {  	s1 =	sor.u32 s2, s1;
	s0 =	sshll.u32 s0, $0x11  }
0xbd: {  	s0 =	sor.u32 s0, s1  }
0xbe: {  	s0 =	sadd.s32 $0x8F2B, s0  }
0xbf: {  	[sflag:s0] =	ssyncadd.remote.s32 $0x1  }
0xc0: {  	_ =	sfence.sel $0xFFFF  }
0xc1: {  	[dreg:$0x0] =	wrdreg $0xFFFFFFFF;
	(pc) =	sbr.abs _section_cstart, $3  }
0xc2: {  	[dreg:$0x1] =	wrdreg $0xFFFFFFFF  }
0xc3: {  	_ =	task.clear_ibuf [dreg:s7], $0x2FFFF;
	_ =	strace $0x9FFFFFFF  }
0xc4: {  	(tm) =	ssettm $0x7FFFFFFF  }
0xc5: {  	_ =	shalt  }
tec
execute0_lowered:
.L_overlay_start_1:
0x0: {  	(tag) =	ssettag $0x1  }
0x1: {  	s5 =	rddreg [dreg:$0x0]  }
0x2: {  	s6 =	rddreg [dreg:$0x1]  }
0x3: {  	s9 =	rddreg [dreg:$0x2]  }
0x4: {  	s3 =	rddreg [dreg:$0x3]  }
0x5: {  	s0 =	rddreg [dreg:$0x4];
	s2 =	simm.s32 $0x0;
	s1 =	stileid.u32  }
0x6: {  	[smem:$0x7FF] =	sst s2;
	s7 =	sshll.u32 s1, $0x7  }
0x7: {  	_ =	strace $0x80000047;
	s8 =	sadd.s32 s5, s7;
	s4 =	sor.u32 $0x40, s7  }
0x8: {  	[tilespmem:s2], [sflag:$0x1] =	stream.linear.gather [hbm4b:s8+s2], $0x200, $0x38;
	[tilespmem:$0x1400] =	vst v63  }
0x9: {  	s10 =	simm.s32 $0x200;
	s5 =	sadd.s32 s5, s4  }
0xa: {  	[tilespmem:s10], [sflag:$0x2] =	stream.linear.gather [hbm4b:s5+s2], $0x200, $0x38;
	[tilespmem:$0x1400] =	vst v63  }
0xb: {  	s20 =	simm.s32 $0x400;
	s19 =	sadd.s32 s6, s7  }
0xc: {  	[tilespmem:s20], [sflag:$0x3] =	stream.linear.gather [hbm4b:s19+s2], $0x200, $0x38;
	[tilespmem:$0x1400] =	vst v63  }
0xd: {  	s11 =	simm.s32 $0x600;
	s22 =	simm.s32 $0x1;
	s21 =	sadd.s32 s6, s4  }
0xe: {  	[tilespmem:s11], [sflag:$0x4] =	stream.linear.gather [hbm4b:s21+s2], $0x200, $0x38;
	[tilespmem:$0x1400] =	vst v63  }
0xf: {  	_ =	swait.ge [sflag:s22], $0x200  }
0x10: {  	s23 =	simm.s32 $0x800;
	[sflag:s22] =	ssyncset.done $0x0  }
0x11: {  	s13 =	simm.s32 $0x3;
	s12 =	sadd.s32 $0x3200, s9;
	[sflag:s22] =	ssyncadd.s32 $0xFFFFFE00  }
0x12: {  	[tilespmem:s23], [sflag:$0x1] =	stream.indirect.gather [hbm4b:s12+s10], $0x1, s2, s10, $0xb8;
	[tilespmem:$0x1400] =	vst v63  }
0x13: {  	_ =	swait.ge [sflag:s13], $0x200  }
0x14: {  	[sflag:s13] =	ssyncset.done $0x0  }
0x15: {  	s24 =	simm.s32 $0xC00;
	s25 =	simm.s32 $0x2;
	[sflag:s13] =	ssyncadd.s32 $0xFFFFFE00  }
0x16: {  	[tilespmem:s24], [sflag:$0x3] =	stream.indirect.gather [hbm4b:s9+s10], $0x1, s20, s10, $0xb8;
	[tilespmem:$0x1400] =	vst v63  }
0x17: {  	_ =	swait.ge [sflag:s25], $0x200  }
0x18: {  	[sflag:s25] =	ssyncset.done $0x0  }
0x19: {  	s26 =	simm.s32 $0xA00;
	s28 =	simm.s32 $0x4;
	[sflag:s25] =	ssyncadd.s32 $0xFFFFFE00  }
0x1a: {  	[tilespmem:s26], [sflag:$0x2] =	stream.indirect.gather [hbm4b:s12+s10], $0x1, s10, s10, $0xb8;
	[tilespmem:$0x1400] =	vst v63  }
0x1b: {  	_ =	swait.ge [sflag:s28], $0x200  }
0x1c: {  	[sflag:s28] =	ssyncset.done $0x0  }
0x1d: {  	s29 =	simm.s32 $0xE00;
	[sflag:s28] =	ssyncadd.s32 $0xFFFFFE00  }
0x1e: {  	[tilespmem:s29], [sflag:$0x4] =	stream.indirect.gather [hbm4b:s9+s10], $0x1, s11, s10, $0xb8;
	[tilespmem:$0x1400] =	vst v63  }
0x1f: {  	_ =	swait.ge [sflag:s22], $0x200  }
0x20: {  	[sflag:s22] =	ssyncset.done $0x0  }
0x21: {  	[sflag:s22] =	ssyncadd.s32 $0xFFFFFE00  }
0x22: {  	_ =	swait.ge [sflag:s13], $0x200  }
0x23: {  	[sflag:s13] =	ssyncset.done $0x0  }
0x24: {  	[sflag:s13] =	ssyncadd.s32 $0xFFFFFE00  }
0x25: {  	v0 =	vld [tilespmem:$0x800]  }
0x26: {  	v1 =	vld [tilespmem:$0xC00]  }
0x27: {  	v2 =	vld [tilespmem:$0x810]  }
0x28: {  	v3 =	vld [tilespmem:$0xC10]  }
0x29: {  	v4 =	vld [tilespmem:$0x820]  }
0x2a: {  	v5 =	vld [tilespmem:$0xC20]  }
0x2b: {  	v6 =	vld [tilespmem:$0x830]  }
0x2c: {  	v7 =	vld [tilespmem:$0xC30]  }
0x2d: {  	v8 =	vld [tilespmem:$0x840]  }
0x2e: {  	v9 =	vld [tilespmem:$0xC40]  }
0x2f: {  	v10 =	vld [tilespmem:$0x850]  }
0x30: {  	v11 =	vld [tilespmem:$0xC50]  }
0x31: {  	v12 =	vld [tilespmem:$0x860]  }
0x32: {  	v13 =	vld [tilespmem:$0xC60]  }
0x33: {  	v14 =	vld [tilespmem:$0x870]  }
0x34: {  	v15 =	vld [tilespmem:$0xC70]  }
0x35: {  	v16 =	vld [tilespmem:$0x880]  }
0x36: {  	v17 =	vld [tilespmem:$0xC80]  }
0x37: {  	v18 =	vld [tilespmem:$0x890]  }
0x38: {  	v19 =	vld [tilespmem:$0xC90]  }
0x39: {  	v20 =	vld [tilespmem:$0x8A0]  }
0x3a: {  	v21 =	vld [tilespmem:$0xCA0]  }
0x3b: {  	v22 =	vld [tilespmem:$0x8B0]  }
0x3c: {  	v23 =	vld [tilespmem:$0xCB0]  }
0x3d: {  	v24 =	vld [tilespmem:$0x8C0]  }
0x3e: {  	v25 =	vld [tilespmem:$0xCC0]  }
0x3f: {  	v26 =	vld [tilespmem:$0x8D0]  }
0x40: {  	v27 =	vld [tilespmem:$0xCD0]  }
0x41: {  	v28 =	vld [tilespmem:$0x8E0]  }
0x42: {  	v29 =	vld [tilespmem:$0xCE0]  }
0x43: {  	v30 =	vld [tilespmem:$0x8F0]  }
0x44: {  	v31 =	vld [tilespmem:$0xCF0]  }
0x45: {  	v32 =	vld [tilespmem:$0x900]  }
0x46: {  	v33 =	vld [tilespmem:$0xD00]  }
0x47: {  	v34 =	vld [tilespmem:$0x910]  }
0x48: {  	v35 =	vld [tilespmem:$0xD10];
	v0 =	vadd.f32 $3.500000000e+00, v0  }
0x49: {  	v36 =	vld [tilespmem:$0x920];
	v2 =	vadd.f32 $3.500000000e+00, v2;
	v44 =	vadd.f32 $3.500000000e+00, v4  }
0x4a: {  	v58 =	vld [tilespmem:$0x960];
	v45 =	vadd.f32 $3.500000000e+00, v6;
	v0 =	vadd.f32 v1, v0  }
0x4b: {  	v63 =	vld [tilespmem:$0x970];
	v47 =	vadd.f32 $3.500000000e+00, v8;
	v2 =	vadd.f32 v3, v2  }
0x4c: {  	v38 =	vld [tilespmem:$0x990];
	v49 =	vadd.f32 $3.500000000e+00, v10;
	v46 =	vadd.f32 v5, v44;
	[tilespmem:$0x1000] =	vst v0  }
0x4d: {  	v41 =	vld [tilespmem:$0xD90];
	v51 =	vadd.f32 $3.500000000e+00, v12;
	v48 =	vadd.f32 v7, v45;
	[tilespmem:$0x1010] =	vst v2  }
0x4e: {  	v4 =	vld [tilespmem:$0xD20];
	v53 =	vadd.f32 $3.500000000e+00, v14;
	v50 =	vadd.f32 v9, v47;
	[tilespmem:$0x1020] =	vst v46  }
0x4f: {  	v6 =	vld [tilespmem:$0x930];
	v55 =	vadd.f32 $3.500000000e+00, v16;
	v52 =	vadd.f32 v11, v49;
	[tilespmem:$0x1030] =	vst v48  }
0x50: {  	v8 =	vld [tilespmem:$0xD40];
	v57 =	vadd.f32 $3.500000000e+00, v18;
	v54 =	vadd.f32 v13, v51;
	[tilespmem:$0x1040] =	vst v50  }
0x51: {  	v10 =	vld [tilespmem:$0xD50];
	v60 =	vadd.f32 $3.500000000e+00, v20;
	v56 =	vadd.f32 v15, v53;
	[tilespmem:$0x1050] =	vst v52  }
0x52: {  	v12 =	vld [tilespmem:$0xD60];
	v62 =	vadd.f32 $3.500000000e+00, v22;
	v59 =	vadd.f32 v17, v55;
	[tilespmem:$0x1060] =	vst v54  }
0x53: {  	v14 =	vld [tilespmem:$0xD70];
	v37 =	vadd.f32 $3.500000000e+00, v30;
	v61 =	vadd.f32 v19, v57;
	[tilespmem:$0x1070] =	vst v56  }
0x54: {  	v40 =	vadd.f32 $3.500000000e+00, v32;
	v5 =	vld [tilespmem:$0xD30];
	v20 =	vadd.f32 v21, v60;
	[tilespmem:$0x1080] =	vst v59  }
0x55: {  	v43 =	vadd.f32 $3.500000000e+00, v34;
	v7 =	vld [tilespmem:$0x940];
	v22 =	vadd.f32 v23, v62;
	[tilespmem:$0x1090] =	vst v61  }
0x56: {  	v9 =	vld [tilespmem:$0x950];
	v21 =	vadd.f32 $3.500000000e+00, v24;
	v42 =	vadd.f32 v31, v37;
	[tilespmem:$0x10A0] =	vst v20  }
0x57: {  	v23 =	vadd.f32 $3.500000000e+00, v26;
	v15 =	vld [tilespmem:$0x980];
	v45 =	vadd.f32 v33, v40;
	[tilespmem:$0x10B0] =	vst v22  }
0x58: {  	v58 =	vadd.f32 $3.500000000e+00, v58;
	v26 =	vld [tilespmem:$0xD80];
	v24 =	vadd.f32 v25, v21;
	[tilespmem:$0x10F0] =	vst v42  }
0x59: {  	v44 =	vld [tilespmem:$0x9A0];
	v25 =	vadd.f32 $3.500000000e+00, v28;
	v28 =	vadd.f32 v27, v23;
	[tilespmem:$0x1100] =	vst v45  }
0x5a: {  	v47 =	vld [tilespmem:$0xDA0];
	v46 =	vadd.f32 $3.500000000e+00, v36;
	v48 =	vadd.f32 v35, v43;
	[tilespmem:$0x10C0] =	vst v24  }
0x5b: {  	v53 =	vld [tilespmem:$0xDB0];
	v61 =	vadd.f32 $3.500000000e+00, v63;
	v63 =	vadd.f32 v12, v58;
	[tilespmem:$0x10D0] =	vst v28  }
0x5c: {  	v62 =	vld [tilespmem:$0x9D0];
	v17 =	vadd.f32 $3.500000000e+00, v38;
	v39 =	vadd.f32 v29, v25;
	[tilespmem:$0x1110] =	vst v48  }
0x5d: {  	v13 =	vld [tilespmem:$0xDD0];
	v49 =	vadd.f32 $3.500000000e+00, v6;
	v51 =	vadd.f32 v4, v46;
	[tilespmem:$0x1160] =	vst v63  }
0x5e: {  	v50 =	vld [tilespmem:$0x9B0];
	v25 =	vadd.f32 v41, v17;
	v52 =	vadd.f32 $3.500000000e+00, v7;
	[tilespmem:$0x10E0] =	vst v39  }
0x5f: {  	v56 =	vld [tilespmem:$0x9C0];
	v54 =	vadd.f32 v5, v49;
	v55 =	vadd.f32 $3.500000000e+00, v9;
	[tilespmem:$0x1120] =	vst v51  }
0x60: {  	v59 =	vld [tilespmem:$0xDC0];
	v12 =	vadd.f32 $3.500000000e+00, v15;
	v15 =	vadd.f32 v14, v61;
	[tilespmem:$0x1190] =	vst v25  }
0x61: {  	v21 =	vld [tilespmem:$0x9E0];
	v57 =	vadd.f32 v8, v52;
	[tilespmem:$0x1130] =	vst v54  }
0x62: {  	v24 =	vld [tilespmem:$0x9F0];
	v23 =	vadd.f32 $3.500000000e+00, v44;
	v60 =	vadd.f32 v10, v55;
	[tilespmem:$0x1170] =	vst v15  }
0x63: {  	v27 =	vld [tilespmem:$0xDE0];
	v32 =	vadd.f32 $3.500000000e+00, v62;
	v22 =	vadd.f32 v26, v12;
	[tilespmem:$0x1140] =	vst v57  }
0x64: {  	v30 =	vld [tilespmem:$0xDF0];
	v26 =	vadd.f32 $3.500000000e+00, v50;
	v28 =	vadd.f32 v47, v23;
	[tilespmem:$0x1150] =	vst v60  }
0x65: {  	v29 =	vadd.f32 $3.500000000e+00, v56;
	v35 =	vadd.f32 v13, v32;
	[tilespmem:$0x1180] =	vst v22  }
0x66: {  	v34 =	vadd.f32 $3.500000000e+00, v21;
	v31 =	vadd.f32 v53, v26;
	[tilespmem:$0x11A0] =	vst v28  }
0x67: {  	v33 =	vadd.f32 v59, v29;
	v36 =	vadd.f32 $3.500000000e+00, v24;
	[tilespmem:$0x11D0] =	vst v35  }
0x68: {  	v37 =	vadd.f32 v27, v34;
	[tilespmem:$0x11B0] =	vst v31  }
0x69: {  	[tilespmem:$0x11C0] =	vst v33;
	v38 =	vadd.f32 v30, v36  }
0x6a: {  	[tilespmem:$0x11E0] =	vst v37  }
0x6b: {  	s30 =	simm.s32 $0x1000;
	s7 =	sadd.s32 s3, s7;
	[tilespmem:$0x11F0] =	vst v38  }
0x6c: {  	[hbm4b:s7+s2] =	stream.linear.scatter [tilespmem:s30], [sflag:$0x1], $0x200, $0x38;
	[tilespmem:$0x1400] =	vst v63  }
0x6d: {  	_ =	swait.ge [sflag:s25], $0x200  }
0x6e: {  	[sflag:s25] =	ssyncset.done $0x0  }
0x6f: {  	[sflag:s25] =	ssyncadd.s32 $0xFFFFFE00  }
0x70: {  	_ =	swait.ge [sflag:s28], $0x200  }
0x71: {  	[sflag:s28] =	ssyncset.done $0x0  }
0x72: {  	[sflag:s28] =	ssyncadd.s32 $0xFFFFFE00  }
0x73: {  	v39 =	vld [tilespmem:$0xA00]  }
0x74: {  	v1 =	vld [tilespmem:$0xE00]  }
0x75: {  	v55 =	vld [tilespmem:$0xA10]  }
0x76: {  	v3 =	vld [tilespmem:$0xE10]  }
0x77: {  	v56 =	vld [tilespmem:$0xA20]  }
0x78: {  	v57 =	vld [tilespmem:$0xE20]  }
0x79: {  	v58 =	vld [tilespmem:$0xA30]  }
0x7a: {  	v59 =	vld [tilespmem:$0xE30]  }
0x7b: {  	v60 =	vld [tilespmem:$0xA40]  }
0x7c: {  	v61 =	vld [tilespmem:$0xE40]  }
0x7d: {  	v62 =	vld [tilespmem:$0xA50]  }
0x7e: {  	v11 =	vld [tilespmem:$0xE50]  }
0x7f: {  	v63 =	vld [tilespmem:$0xA60]  }
0x80: {  	v40 =	vld [tilespmem:$0xE60]  }
0x81: {  	v41 =	vld [tilespmem:$0xA70]  }
0x82: {  	v42 =	vld [tilespmem:$0xE70]  }
0x83: {  	v43 =	vld [tilespmem:$0xA80]  }
0x84: {  	v44 =	vld [tilespmem:$0xE80]  }
0x85: {  	v45 =	vld [tilespmem:$0xA90]  }
0x86: {  	v46 =	vld [tilespmem:$0xE90]  }
0x87: {  	v47 =	vld [tilespmem:$0xAA0]  }
0x88: {  	v48 =	vld [tilespmem:$0xEA0]  }
0x89: {  	v49 =	vld [tilespmem:$0xAB0]  }
0x8a: {  	v50 =	vld [tilespmem:$0xEB0]  }
0x8b: {  	v51 =	vld [tilespmem:$0xAC0]  }
0x8c: {  	v52 =	vld [tilespmem:$0xEC0]  }
0x8d: {  	v53 =	vld [tilespmem:$0xAD0]  }
0x8e: {  	v27 =	vld [tilespmem:$0xED0]  }
0x8f: {  	v54 =	vld [tilespmem:$0xAE0]  }
0x90: {  	v29 =	vld [tilespmem:$0xEE0]  }
0x91: {  	v30 =	vld [tilespmem:$0xAF0]  }
0x92: {  	v31 =	vld [tilespmem:$0xEF0]  }
0x93: {  	v32 =	vld [tilespmem:$0xB00]  }
0x94: {  	v33 =	vld [tilespmem:$0xF00]  }
0x95: {  	v34 =	vld [tilespmem:$0xB10]  }
0x96: {  	v35 =	vld [tilespmem:$0xF10];
	v0 =	vadd.f32 $3.500000000e+00, v39;
	v2 =	vadd.f32 $3.500000000e+00, v55  }
0x97: {  	v36 =	vld [tilespmem:$0xB20];
	v55 =	vadd.f32 $3.500000000e+00, v56;
	v56 =	vadd.f32 $3.500000000e+00, v58  }
0x98: {  	v4 =	vld [tilespmem:$0xF20];
	v58 =	vadd.f32 $3.500000000e+00, v60;
	v0 =	vadd.f32 v1, v0  }
0x99: {  	v6 =	vld [tilespmem:$0xB30];
	v60 =	vadd.f32 $3.500000000e+00, v62;
	v2 =	vadd.f32 v3, v2  }
0x9a: {  	v5 =	vld [tilespmem:$0xF30];
	v62 =	vadd.f32 $3.500000000e+00, v63;
	v57 =	vadd.f32 v57, v55;
	[tilespmem:$0x1200] =	vst v0  }
0x9b: {  	v7 =	vld [tilespmem:$0xB40];
	v12 =	vadd.f32 $3.500000000e+00, v41;
	v59 =	vadd.f32 v59, v56;
	[tilespmem:$0x1210] =	vst v2  }
0x9c: {  	v8 =	vld [tilespmem:$0xF40];
	v14 =	vadd.f32 $3.500000000e+00, v43;
	v61 =	vadd.f32 v61, v58;
	[tilespmem:$0x1220] =	vst v57  }
0x9d: {  	v9 =	vld [tilespmem:$0xB50];
	v37 =	vadd.f32 $3.500000000e+00, v45;
	v63 =	vadd.f32 v11, v60;
	[tilespmem:$0x1230] =	vst v59  }
0x9e: {  	v10 =	vld [tilespmem:$0xF50];
	v43 =	vadd.f32 $3.500000000e+00, v49;
	v13 =	vadd.f32 v40, v62;
	[tilespmem:$0x1240] =	vst v61  }
0x9f: {  	v38 =	vld [tilespmem:$0xB60];
	v49 =	vadd.f32 $3.500000000e+00, v53;
	v16 =	vadd.f32 v42, v12;
	[tilespmem:$0x1250] =	vst v63  }
0xa0: {  	v25 =	vld [tilespmem:$0xFA0];
	v39 =	vadd.f32 v44, v14;
	v40 =	vadd.f32 $3.500000000e+00, v47;
	[tilespmem:$0x1260] =	vst v13  }
0xa1: {  	v28 =	vld [tilespmem:$0xBB0];
	v24 =	vadd.f32 $3.500000000e+00, v36;
	v42 =	vadd.f32 v46, v37;
	[tilespmem:$0x1270] =	vst v16  }
0xa2: {  	v41 =	vld [tilespmem:$0xF60];
	v46 =	vadd.f32 $3.500000000e+00, v51;
	[tilespmem:$0x1280] =	vst v39;
	v45 =	vadd.f32 v48, v40  }
0xa3: {  	v53 =	vld [tilespmem:$0xF80];
	v55 =	vadd.f32 $3.500000000e+00, v30;
	[tilespmem:$0x1290] =	vst v42;
	v48 =	vadd.f32 v50, v43  }
0xa4: {  	v44 =	vld [tilespmem:$0xB70];
	v58 =	vadd.f32 $3.500000000e+00, v32;
	v51 =	vadd.f32 v52, v46;
	[tilespmem:$0x12A0] =	vst v45  }
0xa5: {  	v47 =	vld [tilespmem:$0xF70];
	v52 =	vadd.f32 $3.500000000e+00, v54;
	v54 =	vadd.f32 v27, v49;
	[tilespmem:$0x12B0] =	vst v48  }
0xa6: {  	v36 =	vadd.f32 $3.500000000e+00, v38;
	v56 =	vld [tilespmem:$0xB90];
	v60 =	vadd.f32 v31, v55;
	[tilespmem:$0x12C0] =	vst v51  }
0xa7: {  	v62 =	vld [tilespmem:$0xBA0];
	v63 =	vadd.f32 v33, v58;
	[tilespmem:$0x12D0] =	vst v54  }
0xa8: {  	v37 =	vld [tilespmem:$0xFC0];
	v61 =	vadd.f32 $3.500000000e+00, v34;
	v41 =	vadd.f32 v41, v36;
	[tilespmem:$0x12F0] =	vst v60  }
0xa9: {  	v50 =	vld [tilespmem:$0xB80];
	v57 =	vadd.f32 v29, v52;
	[tilespmem:$0x1300] =	vst v63  }
0xaa: {  	v59 =	vld [tilespmem:$0xF90];
	v27 =	vadd.f32 $3.500000000e+00, v6;
	v26 =	vadd.f32 v35, v61;
	[tilespmem:$0x1360] =	vst v41  }
0xab: {  	v30 =	vadd.f32 $3.500000000e+00, v7;
	v31 =	vld [tilespmem:$0xFB0];
	v29 =	vadd.f32 v4, v24;
	[tilespmem:$0x12E0] =	vst v57  }
0xac: {  	v33 =	vadd.f32 $3.500000000e+00, v9;
	v34 =	vld [tilespmem:$0xBC0];
	v32 =	vadd.f32 v5, v27;
	[tilespmem:$0x1310] =	vst v26  }
0xad: {  	v40 =	vld [tilespmem:$0xBD0];
	v35 =	vadd.f32 v8, v30;
	v39 =	vadd.f32 $3.500000000e+00, v44;
	[tilespmem:$0x1320] =	vst v29  }
0xae: {  	v43 =	vld [tilespmem:$0xFD0];
	v38 =	vadd.f32 v10, v33;
	v45 =	vadd.f32 $3.500000000e+00, v56;
	[tilespmem:$0x1330] =	vst v32  }
0xaf: {  	v46 =	vld [tilespmem:$0xBE0];
	v51 =	vadd.f32 $3.500000000e+00, v28;
	[tilespmem:$0x1340] =	vst v35;
	v44 =	vadd.f32 v47, v39  }
0xb0: {  	v49 =	vld [tilespmem:$0xBF0];
	[tilespmem:$0x1350] =	vst v38;
	v42 =	vadd.f32 $3.500000000e+00, v50;
	v50 =	vadd.f32 v59, v45  }
0xb1: {  	v52 =	vld [tilespmem:$0xFE0];
	v48 =	vadd.f32 $3.500000000e+00, v62;
	v56 =	vadd.f32 v31, v51;
	[tilespmem:$0x1370] =	vst v44  }
0xb2: {  	v55 =	vld [tilespmem:$0xFF0];
	v54 =	vadd.f32 $3.500000000e+00, v34;
	v47 =	vadd.f32 v53, v42;
	[tilespmem:$0x1390] =	vst v50  }
0xb3: {  	v57 =	vadd.f32 $3.500000000e+00, v40;
	v53 =	vadd.f32 v25, v48;
	[tilespmem:$0x13B0] =	vst v56  }
0xb4: {  	v59 =	vadd.f32 $3.500000000e+00, v46;
	v58 =	vadd.f32 v37, v54;
	[tilespmem:$0x1380] =	vst v47  }
0xb5: {  	v61 =	vadd.f32 $3.500000000e+00, v49;
	v60 =	vadd.f32 v43, v57;
	[tilespmem:$0x13A0] =	vst v53  }
0xb6: {  	v62 =	vadd.f32 v52, v59;
	[tilespmem:$0x13C0] =	vst v58  }
0xb7: {  	v63 =	vadd.f32 v55, v61;
	[tilespmem:$0x13D0] =	vst v60  }
0xb8: {  	[tilespmem:$0x13E0] =	vst v62  }
0xb9: {  	s31 =	simm.s32 $0x1200;
	s3 =	sadd.s32 s3, s4;
	[tilespmem:$0x13F0] =	vst v63  }
0xba: {  	[hbm4b:s3+s2] =	stream.linear.scatter [tilespmem:s31], [sflag:$0x2], $0x200, $0x38;
	[tilespmem:$0x1400] =	vst v63  }
0xbb: {  	_ =	swait.ge [sflag:s22], $0x200  }
0xbc: {  	[sflag:s22] =	ssyncset.done $0x0  }
0xbd: {  	[sflag:s22] =	ssyncadd.s32 $0xFFFFFE00  }
0xbe: {  	_ =	swait.ge [sflag:s25], $0x200  }
0xbf: {  	[sflag:s25] =	ssyncset.done $0x0  }
0xc0: {  	[sflag:s25] =	ssyncadd.s32 $0xFFFFFE00  }
0xc1: {  	_ =	sfence.sel $0x180000  }
0xc2: {  	[bflag:$0x0] =	sbarrier.arrive $0xFFFF  }
0xc3: {  	p0 =	sne.s32 s1, $0x0;
	_ =	strace $0x90000047  }
0xc4: {  	s0 =	sadd.s32 @!p0 $0x100000, s0;
	[bflag:$0x2] =	sbarrier.arrive $0xFFFF  }
0xc5: {  	[sflag:s0] =	ssyncadd.tile.s32 @!p0 $0x1;
	_ =	shalt  }
.Lfunc_end2:
_tile_overlayer_lowered:
.L_overlay_start_2:
0xc6: {  	(tag) =	ssettag $0x2  }
0xc7: {  	s0 =	rddreg [dreg:$0x0];
	s2 =	stileid.u32  }
0xc8: {  	s1 =	rddreg [dreg:$0x1];
	p0 =	sne.s32 s2, $0x0  }
0xc9: {  	s3 =	rddreg [dreg:$0x2];
	[bflag:$0x3] =	sbarrier.arrive $0xFFFF;
	s2 =	simm.s32 @!p0 $0x1C05  }
0xca: {  	[timem:s3], [sflag:s2] =	dma.local @!p0 [hbm:s0], s1  }
0xcb: {  	s0 =	simm.s32 @!p0 $0x5  }
0xcc: {  	_ =	swait.ge @!p0 [sflag:s0], s1  }
0xcd: {  	s1 =	ssub.s32 @!p0 $0x0, s1;
	[sflag:s0] =	ssyncset.done @!p0 $0x0  }
0xce: {  	[sflag:s0] =	ssyncadd.s32 @!p0 s1  }
0xcf: {  	[bflag:$0x3] =	sbarrier.arrive $0xFFFF  }
0xd0: {  	_ =	shalt  }

</sc_bundles>
